<compile_context>
chip_gen: v7x
topology: tpu7x:2x2x1
jax: 0.10.2.dev20260603
libtpu: 0.0.44.dev20260713+nightly
codegen_flags: <defaults>
</compile_context>

<pallas_src>
import functools

import jax
import jax.numpy as jnp
from jax import lax
from jax.experimental import pallas as pl
from jax.experimental.pallas import tpu as pltpu
from jax.experimental.pallas import tpu_sc as plsc

_B = 1024
_C = 100
_BETA = 0.7
_LAMBDA1 = 3.0
_NC = 2
_NS = 16
_NW = _NC * _NS
_BLK = 128
_QUART = _BLK // 4
_G = _QUART // 16


def _log16(x):
    bits = lax.bitcast_convert_type(x, jnp.int32)
    e = lax.shift_right_logical(bits, 23) - 127
    mbits = jnp.bitwise_or(
        jnp.bitwise_and(bits, jnp.int32(0x7FFFFF)), jnp.int32(0x3F800000)
    )
    m = lax.bitcast_convert_type(mbits, jnp.float32)
    big = m > 1.4142135623730951
    m = jnp.where(big, 0.5 * m, m)
    ef = e.astype(jnp.float32) + jnp.where(big, 1.0, 0.0)
    s = (m - 1.0) / (m + 1.0)
    z = s * s
    p = 2.0 * s * (
        1.0 + z * (1.0 / 3.0 + z * (1.0 / 5.0 + z * (1.0 / 7.0 + z * (1.0 / 9.0))))
    )
    return ef * 0.6931471805599453 + p


def _sc_elr_kernel(idx_hbm, ot_hbm, tt_hbm, lab_hbm, out_hbm,
                   idx_v, lg_v, old_v, lab_v, tmp_v, sem1, sem2):
    wid = lax.axis_index("s") * _NC + lax.axis_index("c")
    blk = wid // 4
    quart = wid % 4
    bcol = pl.multiple_of(blk * _BLK, _BLK)
    lg_copy = pltpu.make_async_copy(
        ot_hbm.at[:, pl.ds(bcol, _BLK)], lg_v, sem1
    )
    lg_copy.start()
    pltpu.sync_copy(idx_hbm, idx_v)
    idx0 = idx_v[...][0]
    col0 = pl.multiple_of(idx0 * _B, _BLK)
    old_copy = pltpu.make_async_copy(
        tt_hbm.at[:, pl.ds(col0 + bcol, _BLK)], old_v, sem2
    )
    old_copy.start()
    pltpu.sync_copy(lab_hbm, lab_v)
    zeros = jnp.zeros((16,), jnp.float32)
    offs = [quart * _QUART + g * 16 for g in range(_G)]
    labs = [
        lab_v[pl.ds(pl.multiple_of(blk * _BLK + off, 16), 16)] for off in offs
    ]

    def p2(c, carry):
        ss, picks = carry
        vs = [lg_v[c, pl.ds(off, 16)] for off in offs]
        es = [jnp.exp(v) for v in vs]
        for off, e in zip(offs, es):
            lg_v[c, pl.ds(off, 16)] = e
        return (
            tuple(s + e for s, e in zip(ss, es)),
            tuple(
                jnp.where(lab == c, v, picked)
                for lab, v, picked in zip(labs, vs, picks)
            ),
        )

    lg_copy.wait()
    ss, o_labs = lax.fori_loop(
        0, _C, p2, ((zeros,) * _G, (zeros,) * _G), unroll=4
    )
    rss = [1.0 / s for s in ss]

    def p3(c, carry):
        ts, d1s, d2s = carry
        yps = [
            jnp.clip(lg_v[c, pl.ds(off, 16)] * rs, 0.0001, 1.0 - 0.0001)
            for off, rs in zip(offs, rss)
        ]
        olds = [old_v[c, pl.ds(off, 16)] for off in offs]
        return (
            tuple(t + yp for t, yp in zip(ts, yps)),
            tuple(d1 + o * yp for d1, o, yp in zip(d1s, olds, yps)),
            tuple(d2 + yp * yp for d2, yp in zip(d2s, yps)),
        )

    old_copy.wait()
    ts, d1s, d2s = lax.fori_loop(
        0, _C, p3, ((zeros,) * _G,) * 3, unroll=4
    )
    acc = zeros
    for g in range(_G):
        logp_lab = o_labs[g] - _log16(ss[g])
        dot = _BETA * d1s[g] + (1.0 - _BETA) * d2s[g] / ts[g]
        acc = acc - logp_lab + _LAMBDA1 * _log16(1.0 - dot)
    tmp_v[...] = acc
    pltpu.sync_copy(tmp_v, out_hbm.at[wid])


def _finish_kernel(part_ref, loss_ref):
    loss_ref[0, 0] = jnp.sum(part_ref[...]) * (1.0 / _B)


def kernel(index, output, label, target):
    idx_arr = jnp.full((16,), index, jnp.int32)
    ot = output.T
    tt = target.T
    lab = label.astype(jnp.int32)
    mesh = plsc.VectorSubcoreMesh(
        core_axis_name="c", subcore_axis_name="s", num_cores=_NC
    )
    sc = functools.partial(
        pl.kernel,
        mesh=mesh,
        out_type=jax.ShapeDtypeStruct((_NW, 16), jnp.float32),
        scratch_types=[
            pltpu.VMEM((16,), jnp.int32),
            pltpu.VMEM((_C, _BLK), jnp.float32),
            pltpu.VMEM((_C, _BLK), jnp.float32),
            pltpu.VMEM((_B,), jnp.int32),
            pltpu.VMEM((16,), jnp.float32),
            pltpu.SemaphoreType.DMA,
            pltpu.SemaphoreType.DMA,
        ],
    )(_sc_elr_kernel)
    partials = sc(idx_arr, ot, tt, lab)
    loss = pl.pallas_call(
        _finish_kernel,
        in_specs=[pl.BlockSpec((_NW, 16), lambda: (0, 0))],
        out_specs=pl.BlockSpec((1, 1), lambda: (0, 0), memory_space=pltpu.SMEM),
        out_shape=jax.ShapeDtypeStruct((1, 1), jnp.float32),
    )(partials)
    return loss[0, 0]

# --- scband reference (transcript-rebuilt; emitter-appended) ---
"""Pipeline reference for scband-elr-loss-21749714387538 (READ-ONLY COPY).

The authoritative reference and input builder live on the scoring server;
editing this copy changes nothing except your own understanding.
"""

import jax, jax.numpy as jnp
import numpy as np

NUM_EXAMP = 1000000
NUM_CLASSES = 100
BATCH = 1024
BETA = 0.7
LAMBDA1 = 3.0


def setup_inputs(seed: int = 0) -> dict:
    key = jax.random.key(seed)
    k1, k2 = jax.random.split(key)
    output = jax.random.normal(k1, (BATCH, NUM_CLASSES), dtype=jnp.float32)
    label = jax.random.randint(k2, (BATCH,), 0, NUM_CLASSES)
    target = jnp.zeros((NUM_EXAMP, NUM_CLASSES), dtype=jnp.float32)
    index = 100
    return {"index": index, "output": output, "label": label, "target": target}


def reference(index, output, label, target):
    # softmax probabilities, clamped as in the torch module
    y_pred = jax.nn.softmax(output, axis=1)
    y_pred = jnp.clip(y_pred, 0.0001, 1.0 - 0.0001)
    # detached, row-normalized prediction used for the temporal-ensembling update
    y_det = jax.lax.stop_gradient(y_pred)
    y_norm = y_det / jnp.sum(y_det, axis=1, keepdims=True)
    # gather the batch's rows of the persistent target memory
    rows = index * BATCH + jnp.arange(BATCH)
    old = jnp.take(target, rows, axis=0)
    new = BETA * old + (1.0 - BETA) * y_norm
    # scatter-overwrite the updated rows back into the memory buffer
    target = target.at[rows].set(new)
    target1 = new
    # cross entropy with integer labels (mean reduction)
    logp = jax.nn.log_softmax(output, axis=1)
    ce = -jnp.mean(jnp.take_along_axis(logp, label[:, None].astype(jnp.int32), axis=1)[:, 0])
    # ELR regularizer
    elr = jnp.mean(jnp.log(1.0 - jnp.sum(target1 * y_pred, axis=1)))
    return ce + LAMBDA1 * elr

if __name__ == "__main__":
    import jax
    _d = setup_inputs()
    print(jax.jit(kernel)(*tuple(_d.values())))

</pallas_src>

<mosaic_0001>
#map = affine_map<(d0, d1) -> (0)>
#map1 = affine_map<(d0, d1) -> (0, 0)>
module attributes {stable_mosaic.version = 14 : i64} {
  func.func @_sc_elr_kernel(%arg0: i32, %arg1: i32, %arg2: memref<16xi32, #tpu.memory_space<hbm>>, %arg3: memref<100x1024xf32, #tpu.memory_space<hbm>>, %arg4: memref<100x1000000xf32, #tpu.memory_space<hbm>>, %arg5: memref<1024xi32, #tpu.memory_space<hbm>>, %arg6: memref<32x16xf32, #tpu.memory_space<hbm>>, %arg7: memref<16xi32, #tpu.memory_space<vmem>>, %arg8: memref<100x128xf32, #tpu.memory_space<vmem>>, %arg9: memref<100x128xf32, #tpu.memory_space<vmem>>, %arg10: memref<1024xi32, #tpu.memory_space<vmem>>, %arg11: memref<16xf32, #tpu.memory_space<vmem>>, %arg12: memref<!tpu.dma_semaphore, #tpu.memory_space<semaphore_mem>>, %arg13: memref<!tpu.dma_semaphore, #tpu.memory_space<semaphore_mem>>) attributes {dimension_semantics = [#tpu.dimension_semantics<core_parallel>, #tpu.dimension_semantics<subcore_parallel>], iteration_bounds = array<i64: 2, 16>, scalar_prefetch = 0 : i64, scratch_operands = 7 : i64, tpu.core_type = #tpu.core_type<sc_vector_subcore>, window_params = [{transform_indices = #map}, {transform_indices = #map1}, {transform_indices = #map1}, {transform_indices = #map}, {transform_indices = #map1}]} {
    %mul3A = arith.constant 2 : i32
    %mul3A_0 = arith.muli %arg1, %mul3A : i32
    %add3A = arith.addi %mul3A_0, %arg0 : i32
    %jit3A = arith.constant 4 : i32
    %div3A = arith.divsi %add3A, %jit3A : i32
    %sign3A = arith.constant 0 : i32
    %sign3A_1 = arith.cmpi sgt, %add3A, %sign3A : i32
    %sign3A_2 = arith.extui %sign3A_1 : i1 to i32
    %sign3A_3 = arith.constant 0 : i32
    %sign3A_4 = arith.cmpi slt, %add3A, %sign3A_3 : i32
    %sign3A_5 = arith.extui %sign3A_4 : i1 to i32
    %sign3A_6 = arith.subi %sign3A_2, %sign3A_5 : i32
    %sign3A_7 = arith.constant 0 : i32
    %sign3A_8 = arith.cmpi sgt, %jit3A, %sign3A_7 : i32
    %sign3A_9 = arith.extui %sign3A_8 : i1 to i32
    %sign3A_10 = arith.constant 0 : i32
    %sign3A_11 = arith.cmpi slt, %jit3A, %sign3A_10 : i32
    %sign3A_12 = arith.extui %sign3A_11 : i1 to i32
    %sign3A_13 = arith.subi %sign3A_9, %sign3A_12 : i32
    %ne3A = arith.cmpi ne, %sign3A_6, %sign3A_13 : i32
    %rem3A = arith.remsi %add3A, %jit3A : i32
    %ne3A_14 = arith.constant 0 : i32
    %ne3A_15 = arith.cmpi ne, %rem3A, %ne3A_14 : i32
    %and3A = arith.andi %ne3A, %ne3A_15 : i1
    %sub3A = arith.constant 1 : i32
    %sub3A_16 = arith.subi %div3A, %sub3A : i32
    %select_n3A = arith.select %and3A, %sub3A_16, %div3A : i32
    %jit3A_17 = arith.constant 4 : i32
    %eq3A = arith.constant 0 : i32
    %eq3A_18 = arith.cmpi eq, %jit3A_17, %eq3A : i32
    %jit3A_19 = arith.constant 1 : i32
    %select_n3A_20 = arith.select %eq3A_18, %jit3A_19, %jit3A_17 : i32
    %rem3A_21 = arith.remsi %add3A, %select_n3A_20 : i32
    %ne3A_22 = arith.constant 0 : i32
    %ne3A_23 = arith.cmpi ne, %rem3A_21, %ne3A_22 : i32
    %lt3A = arith.constant 0 : i32
    %lt3A_24 = arith.cmpi slt, %rem3A_21, %lt3A : i32
    %lt3A_25 = arith.constant 0 : i32
    %lt3A_26 = arith.cmpi slt, %select_n3A_20, %lt3A_25 : i32
    %ne3A_27 = arith.xori %lt3A_24, %lt3A_26 : i1
    %and3A_28 = arith.andi %ne3A_27, %ne3A_23 : i1
    %add3A_29 = arith.addi %rem3A_21, %select_n3A_20 : i32
    %select_n3A_30 = arith.select %and3A_28, %add3A_29, %rem3A_21 : i32
    %mul3A_31 = arith.constant 128 : i32
    %mul3A_32 = arith.muli %select_n3A, %mul3A_31 : i32
    %multiple_of3A = tpu.assume_multiple %mul3A_32, 128 : i32
    %dma_start3A = arith.constant 0 : i32
    %dma_start3A_33 = tpu.memref_slice %arg3[%dma_start3A, %multiple_of3A] : memref<100x1024xf32, #tpu.memory_space<hbm>> -> memref<100x128xf32, #tpu.memory_space<hbm>>
    %dma_start3A_34 = arith.constant 0 : i32
    %dma_start3A_35 = tpu.memref_slice %arg3[%dma_start3A_34, %multiple_of3A] : memref<100x1024xf32, #tpu.memory_space<hbm>> -> memref<100x128xf32, #tpu.memory_space<hbm>>
    tpu.enqueue_dma source(%dma_start3A_35 : memref<100x128xf32, #tpu.memory_space<hbm>>) target(%arg8 : memref<100x128xf32, #tpu.memory_space<vmem>>) target_semaphore(%arg12 : memref<!tpu.dma_semaphore, #tpu.memory_space<semaphore_mem>>)
    "tpu.region"() ({
      %run_scoped3A = tpu.sem_alloc : memref<!tpu.dma_semaphore, #tpu.memory_space<semaphore_mem>>
      tpu.enqueue_dma source(%arg2 : memref<16xi32, #tpu.memory_space<hbm>>) target(%arg7 : memref<16xi32, #tpu.memory_space<vmem>>) target_semaphore(%run_scoped3A : memref<!tpu.dma_semaphore, #tpu.memory_space<semaphore_mem>>)
      tpu.wait_dma2 semaphore(%run_scoped3A : memref<!tpu.dma_semaphore, #tpu.memory_space<semaphore_mem>>) src(%arg2 : memref<16xi32, #tpu.memory_space<hbm>>) dst(%arg7 : memref<16xi32, #tpu.memory_space<vmem>>)
      tpu.yield
    }) : () -> ()
    %get3A = arith.constant 0 : index
    %get3A_36 = tpu.vector_load %arg7[%get3A] {strides = array<i32>} : memref<16xi32, #tpu.memory_space<vmem>>, vector<16xi32>,
    %get3A_37 = vector.shape_cast %get3A_36 : vector<16xi32> to vector<16xi32>
    %slice3A = vector.extract_strided_slice %get3A_37 {offsets = [0], sizes = [1], strides = [1]} : vector<16xi32> to vector<1xi32>
    %squeeze3A = vector.extract %slice3A[0] : i32 from vector<1xi32>
    %mul3A_38 = arith.constant 1024 : i32
    %mul3A_39 = arith.muli %squeeze3A, %mul3A_38 : i32
    %multiple_of3A_40 = tpu.assume_multiple %mul3A_39, 128 : i32
    %add3A_41 = arith.addi %multiple_of3A_40, %multiple_of3A : i32
    %dma_start3A_42 = arith.constant 0 : i32
    %dma_start3A_43 = tpu.memref_slice %arg4[%dma_start3A_42, %add3A_41] : memref<100x1000000xf32, #tpu.memory_space<hbm>> -> memref<100x128xf32, #tpu.memory_space<hbm>>
    %dma_start3A_44 = arith.constant 0 : i32
    %dma_start3A_45 = tpu.memref_slice %arg4[%dma_start3A_44, %add3A_41] : memref<100x1000000xf32, #tpu.memory_space<hbm>> -> memref<100x128xf32, #tpu.memory_space<hbm>>
    tpu.enqueue_dma source(%dma_start3A_45 : memref<100x128xf32, #tpu.memory_space<hbm>>) target(%arg9 : memref<100x128xf32, #tpu.memory_space<vmem>>) target_semaphore(%arg13 : memref<!tpu.dma_semaphore, #tpu.memory_space<semaphore_mem>>)
    "tpu.region"() ({
      %run_scoped3A = tpu.sem_alloc : memref<!tpu.dma_semaphore, #tpu.memory_space<semaphore_mem>>
      tpu.enqueue_dma source(%arg5 : memref<1024xi32, #tpu.memory_space<hbm>>) target(%arg10 : memref<1024xi32, #tpu.memory_space<vmem>>) target_semaphore(%run_scoped3A : memref<!tpu.dma_semaphore, #tpu.memory_space<semaphore_mem>>)
      tpu.wait_dma2 semaphore(%run_scoped3A : memref<!tpu.dma_semaphore, #tpu.memory_space<semaphore_mem>>) src(%arg5 : memref<1024xi32, #tpu.memory_space<hbm>>) dst(%arg10 : memref<1024xi32, #tpu.memory_space<vmem>>)
      tpu.yield
    }) : () -> ()
    %broadcast_in_dim3A = arith.constant 0.000000e+00 : f32
    %broadcast_in_dim3A_46 = vector.broadcast %broadcast_in_dim3A : f32 to vector<16xf32>
    %mul3A_47 = arith.constant 32 : i32
    %mul3A_48 = arith.muli %select_n3A_30, %mul3A_47 : i32
    %add3A_49 = arith.constant 0 : i32
    %add3A_50 = arith.addi %mul3A_48, %add3A_49 : i32
    %mul3A_51 = arith.constant 32 : i32
    %mul3A_52 = arith.muli %select_n3A_30, %mul3A_51 : i32
    %add3A_53 = arith.constant 16 : i32
    %add3A_54 = arith.addi %mul3A_52, %add3A_53 : i32
    %mul3A_55 = arith.constant 128 : i32
    %mul3A_56 = arith.muli %select_n3A, %mul3A_55 : i32
    %add3A_57 = arith.addi %mul3A_56, %add3A_50 : i32
    %multiple_of3A_58 = tpu.assume_multiple %add3A_57, 16 : i32
    %get3A_59 = arith.index_cast %multiple_of3A_58 : i32 to index
    %get3A_60 = tpu.vector_load %arg10[%get3A_59] {strides = array<i32>} : memref<1024xi32, #tpu.memory_space<vmem>>, vector<16xi32>,
    %get3A_61 = vector.shape_cast %get3A_60 : vector<16xi32> to vector<16xi32>
    %mul3A_62 = arith.constant 128 : i32
    %mul3A_63 = arith.muli %select_n3A, %mul3A_62 : i32
    %add3A_64 = arith.addi %mul3A_63, %add3A_54 : i32
    %multiple_of3A_65 = tpu.assume_multiple %add3A_64, 16 : i32
    %get3A_66 = arith.index_cast %multiple_of3A_65 : i32 to index
    %get3A_67 = tpu.vector_load %arg10[%get3A_66] {strides = array<i32>} : memref<1024xi32, #tpu.memory_space<vmem>>, vector<16xi32>,
    %get3A_68 = vector.shape_cast %get3A_67 : vector<16xi32> to vector<16xi32>
    %dma_wait3A = arith.constant 0 : i32
    %dma_wait3A_69 = tpu.memref_slice %arg3[%dma_wait3A, %multiple_of3A] : memref<100x1024xf32, #tpu.memory_space<hbm>> -> memref<100x128xf32, #tpu.memory_space<hbm>>
    %dma_wait3A_70 = arith.constant 0 : i32
    %dma_wait3A_71 = tpu.memref_slice %arg3[%dma_wait3A_70, %multiple_of3A] : memref<100x1024xf32, #tpu.memory_space<hbm>> -> memref<100x128xf32, #tpu.memory_space<hbm>>
    tpu.wait_dma2 semaphore(%arg12 : memref<!tpu.dma_semaphore, #tpu.memory_space<semaphore_mem>>) src(%dma_wait3A_71 : memref<100x128xf32, #tpu.memory_space<hbm>>) dst(%arg8 : memref<100x128xf32, #tpu.memory_space<vmem>>)
    %scan3A = arith.constant 0 : i32
    %scan3A_72 = arith.constant 100 : i32
    %scan3A_73 = arith.addi %scan3A, %scan3A_72 : i32
    %scan3A_74 = arith.constant 4 : i32
    %scan3A_75:4 = scf.for %scan3A_373 = %scan3A to %scan3A_73 step %scan3A_74 iter_args(%scan3A_374 = %broadcast_in_dim3A_46, %scan3A_375 = %broadcast_in_dim3A_46, %scan3A_376 = %broadcast_in_dim3A_46, %scan3A_377 = %broadcast_in_dim3A_46) -> (vector<16xf32>, vector<16xf32>, vector<16xf32>, vector<16xf32>)  : i32 {
      %get3A_378 = arith.index_cast %scan3A_373 : i32 to index
      %get3A_379 = arith.index_cast %add3A_50 : i32 to index
      %get3A_380 = tpu.vector_load %arg8[%get3A_378, %get3A_379] {strides = array<i32>} : memref<100x128xf32, #tpu.memory_space<vmem>>, vector<1x16xf32>,
      %get3A_381 = vector.shape_cast %get3A_380 : vector<1x16xf32> to vector<16xf32>
      %get3A_382 = arith.index_cast %scan3A_373 : i32 to index
      %get3A_383 = arith.index_cast %add3A_54 : i32 to index
      %get3A_384 = tpu.vector_load %arg8[%get3A_382, %get3A_383] {strides = array<i32>} : memref<100x128xf32, #tpu.memory_space<vmem>>, vector<1x16xf32>,
      %get3A_385 = vector.shape_cast %get3A_384 : vector<1x16xf32> to vector<16xf32>
      %exp3A = math.exp %get3A_381 : vector<16xf32>
      %exp3A_386 = math.exp %get3A_385 : vector<16xf32>
      %swap3A_387 = arith.index_cast %scan3A_373 : i32 to index
      %swap3A_388 = arith.index_cast %add3A_50 : i32 to index
      %swap3A_389 = tpu.vector_load %arg8[%swap3A_387, %swap3A_388] {strides = array<i32>} : memref<100x128xf32, #tpu.memory_space<vmem>>, vector<1x16xf32>,
      %swap3A_390 = vector.shape_cast %swap3A_389 : vector<1x16xf32> to vector<16xf32>
      %swap3A_391 = vector.shape_cast %exp3A : vector<16xf32> to vector<1x16xf32>
      tpu.vector_store %arg8[%swap3A_387, %swap3A_388], %swap3A_391 {strides = array<i32>} : memref<100x128xf32, #tpu.memory_space<vmem>>, vector<1x16xf32>,
      %swap3A_392 = arith.index_cast %scan3A_373 : i32 to index
      %swap3A_393 = arith.index_cast %add3A_54 : i32 to index
      %swap3A_394 = tpu.vector_load %arg8[%swap3A_392, %swap3A_393] {strides = array<i32>} : memref<100x128xf32, #tpu.memory_space<vmem>>, vector<1x16xf32>,
      %swap3A_395 = vector.shape_cast %swap3A_394 : vector<1x16xf32> to vector<16xf32>
      %swap3A_396 = vector.shape_cast %exp3A_386 : vector<16xf32> to vector<1x16xf32>
      tpu.vector_store %arg8[%swap3A_392, %swap3A_393], %swap3A_396 {strides = array<i32>} : memref<100x128xf32, #tpu.memory_space<vmem>>, vector<1x16xf32>,
      %add3A_397 = arith.addf %scan3A_374, %exp3A : vector<16xf32>
      %add3A_398 = arith.addf %scan3A_375, %exp3A_386 : vector<16xf32>
      %eq3A_399 = vector.broadcast %scan3A_373 : i32 to vector<16xi32>
      %eq3A_400 = arith.cmpi eq, %get3A_61, %eq3A_399 : vector<16xi32>
      %select_n3A_401 = arith.select %eq3A_400, %get3A_381, %scan3A_376 : vector<16xi1>, vector<16xf32>
      %eq3A_402 = vector.broadcast %scan3A_373 : i32 to vector<16xi32>
      %eq3A_403 = arith.cmpi eq, %get3A_68, %eq3A_402 : vector<16xi32>
      %select_n3A_404 = arith.select %eq3A_403, %get3A_385, %scan3A_377 : vector<16xi1>, vector<16xf32>
      %scan3A_405 = arith.constant 1 : i32
      %scan3A_406 = arith.addi %scan3A_373, %scan3A_405 : i32
      %get3A_407 = arith.index_cast %scan3A_406 : i32 to index
      %get3A_408 = arith.index_cast %add3A_50 : i32 to index
      %get3A_409 = tpu.vector_load %arg8[%get3A_407, %get3A_408] {strides = array<i32>} : memref<100x128xf32, #tpu.memory_space<vmem>>, vector<1x16xf32>,
      %get3A_410 = vector.shape_cast %get3A_409 : vector<1x16xf32> to vector<16xf32>
      %get3A_411 = arith.index_cast %scan3A_406 : i32 to index
      %get3A_412 = arith.index_cast %add3A_54 : i32 to index
      %get3A_413 = tpu.vector_load %arg8[%get3A_411, %get3A_412] {strides = array<i32>} : memref<100x128xf32, #tpu.memory_space<vmem>>, vector<1x16xf32>,
      %get3A_414 = vector.shape_cast %get3A_413 : vector<1x16xf32> to vector<16xf32>
      %exp3A_415 = math.exp %get3A_410 : vector<16xf32>
      %exp3A_416 = math.exp %get3A_414 : vector<16xf32>
      %swap3A_417 = arith.index_cast %scan3A_406 : i32 to index
      %swap3A_418 = arith.index_cast %add3A_50 : i32 to index
      %swap3A_419 = tpu.vector_load %arg8[%swap3A_417, %swap3A_418] {strides = array<i32>} : memref<100x128xf32, #tpu.memory_space<vmem>>, vector<1x16xf32>,
      %swap3A_420 = vector.shape_cast %swap3A_419 : vector<1x16xf32> to vector<16xf32>
      %swap3A_421 = vector.shape_cast %exp3A_415 : vector<16xf32> to vector<1x16xf32>
      tpu.vector_store %arg8[%swap3A_417, %swap3A_418], %swap3A_421 {strides = array<i32>} : memref<100x128xf32, #tpu.memory_space<vmem>>, vector<1x16xf32>,
      %swap3A_422 = arith.index_cast %scan3A_406 : i32 to index
      %swap3A_423 = arith.index_cast %add3A_54 : i32 to index
      %swap3A_424 = tpu.vector_load %arg8[%swap3A_422, %swap3A_423] {strides = array<i32>} : memref<100x128xf32, #tpu.memory_space<vmem>>, vector<1x16xf32>,
      %swap3A_425 = vector.shape_cast %swap3A_424 : vector<1x16xf32> to vector<16xf32>
      %swap3A_426 = vector.shape_cast %exp3A_416 : vector<16xf32> to vector<1x16xf32>
      tpu.vector_store %arg8[%swap3A_422, %swap3A_423], %swap3A_426 {strides = array<i32>} : memref<100x128xf32, #tpu.memory_space<vmem>>, vector<1x16xf32>,
      %add3A_427 = arith.addf %add3A_397, %exp3A_415 : vector<16xf32>
      %add3A_428 = arith.addf %add3A_398, %exp3A_416 : vector<16xf32>
      %eq3A_429 = vector.broadcast %scan3A_406 : i32 to vector<16xi32>
      %eq3A_430 = arith.cmpi eq, %get3A_61, %eq3A_429 : vector<16xi32>
      %select_n3A_431 = arith.select %eq3A_430, %get3A_410, %select_n3A_401 : vector<16xi1>, vector<16xf32>
      %eq3A_432 = vector.broadcast %scan3A_406 : i32 to vector<16xi32>
      %eq3A_433 = arith.cmpi eq, %get3A_68, %eq3A_432 : vector<16xi32>
      %select_n3A_434 = arith.select %eq3A_433, %get3A_414, %select_n3A_404 : vector<16xi1>, vector<16xf32>
      %scan3A_435 = arith.constant 2 : i32
      %scan3A_436 = arith.addi %scan3A_373, %scan3A_435 : i32
      %get3A_437 = arith.index_cast %scan3A_436 : i32 to index
      %get3A_438 = arith.index_cast %add3A_50 : i32 to index
      %get3A_439 = tpu.vector_load %arg8[%get3A_437, %get3A_438] {strides = array<i32>} : memref<100x128xf32, #tpu.memory_space<vmem>>, vector<1x16xf32>,
      %get3A_440 = vector.shape_cast %get3A_439 : vector<1x16xf32> to vector<16xf32>
      %get3A_441 = arith.index_cast %scan3A_436 : i32 to index
      %get3A_442 = arith.index_cast %add3A_54 : i32 to index
      %get3A_443 = tpu.vector_load %arg8[%get3A_441, %get3A_442] {strides = array<i32>} : memref<100x128xf32, #tpu.memory_space<vmem>>, vector<1x16xf32>,
      %get3A_444 = vector.shape_cast %get3A_443 : vector<1x16xf32> to vector<16xf32>
      %exp3A_445 = math.exp %get3A_440 : vector<16xf32>
      %exp3A_446 = math.exp %get3A_444 : vector<16xf32>
      %swap3A_447 = arith.index_cast %scan3A_436 : i32 to index
      %swap3A_448 = arith.index_cast %add3A_50 : i32 to index
      %swap3A_449 = tpu.vector_load %arg8[%swap3A_447, %swap3A_448] {strides = array<i32>} : memref<100x128xf32, #tpu.memory_space<vmem>>, vector<1x16xf32>,
      %swap3A_450 = vector.shape_cast %swap3A_449 : vector<1x16xf32> to vector<16xf32>
      %swap3A_451 = vector.shape_cast %exp3A_445 : vector<16xf32> to vector<1x16xf32>
      tpu.vector_store %arg8[%swap3A_447, %swap3A_448], %swap3A_451 {strides = array<i32>} : memref<100x128xf32, #tpu.memory_space<vmem>>, vector<1x16xf32>,
      %swap3A_452 = arith.index_cast %scan3A_436 : i32 to index
      %swap3A_453 = arith.index_cast %add3A_54 : i32 to index
      %swap3A_454 = tpu.vector_load %arg8[%swap3A_452, %swap3A_453] {strides = array<i32>} : memref<100x128xf32, #tpu.memory_space<vmem>>, vector<1x16xf32>,
      %swap3A_455 = vector.shape_cast %swap3A_454 : vector<1x16xf32> to vector<16xf32>
      %swap3A_456 = vector.shape_cast %exp3A_446 : vector<16xf32> to vector<1x16xf32>
      tpu.vector_store %arg8[%swap3A_452, %swap3A_453], %swap3A_456 {strides = array<i32>} : memref<100x128xf32, #tpu.memory_space<vmem>>, vector<1x16xf32>,
      %add3A_457 = arith.addf %add3A_427, %exp3A_445 : vector<16xf32>
      %add3A_458 = arith.addf %add3A_428, %exp3A_446 : vector<16xf32>
      %eq3A_459 = vector.broadcast %scan3A_436 : i32 to vector<16xi32>
      %eq3A_460 = arith.cmpi eq, %get3A_61, %eq3A_459 : vector<16xi32>
      %select_n3A_461 = arith.select %eq3A_460, %get3A_440, %select_n3A_431 : vector<16xi1>, vector<16xf32>
      %eq3A_462 = vector.broadcast %scan3A_436 : i32 to vector<16xi32>
      %eq3A_463 = arith.cmpi eq, %get3A_68, %eq3A_462 : vector<16xi32>
      %select_n3A_464 = arith.select %eq3A_463, %get3A_444, %select_n3A_434 : vector<16xi1>, vector<16xf32>
      %scan3A_465 = arith.constant 3 : i32
      %scan3A_466 = arith.addi %scan3A_373, %scan3A_465 : i32
      %get3A_467 = arith.index_cast %scan3A_466 : i32 to index
      %get3A_468 = arith.index_cast %add3A_50 : i32 to index
      %get3A_469 = tpu.vector_load %arg8[%get3A_467, %get3A_468] {strides = array<i32>} : memref<100x128xf32, #tpu.memory_space<vmem>>, vector<1x16xf32>,
      %get3A_470 = vector.shape_cast %get3A_469 : vector<1x16xf32> to vector<16xf32>
      %get3A_471 = arith.index_cast %scan3A_466 : i32 to index
      %get3A_472 = arith.index_cast %add3A_54 : i32 to index
      %get3A_473 = tpu.vector_load %arg8[%get3A_471, %get3A_472] {strides = array<i32>} : memref<100x128xf32, #tpu.memory_space<vmem>>, vector<1x16xf32>,
      %get3A_474 = vector.shape_cast %get3A_473 : vector<1x16xf32> to vector<16xf32>
      %exp3A_475 = math.exp %get3A_470 : vector<16xf32>
      %exp3A_476 = math.exp %get3A_474 : vector<16xf32>
      %swap3A_477 = arith.index_cast %scan3A_466 : i32 to index
      %swap3A_478 = arith.index_cast %add3A_50 : i32 to index
      %swap3A_479 = tpu.vector_load %arg8[%swap3A_477, %swap3A_478] {strides = array<i32>} : memref<100x128xf32, #tpu.memory_space<vmem>>, vector<1x16xf32>,
      %swap3A_480 = vector.shape_cast %swap3A_479 : vector<1x16xf32> to vector<16xf32>
      %swap3A_481 = vector.shape_cast %exp3A_475 : vector<16xf32> to vector<1x16xf32>
      tpu.vector_store %arg8[%swap3A_477, %swap3A_478], %swap3A_481 {strides = array<i32>} : memref<100x128xf32, #tpu.memory_space<vmem>>, vector<1x16xf32>,
      %swap3A_482 = arith.index_cast %scan3A_466 : i32 to index
      %swap3A_483 = arith.index_cast %add3A_54 : i32 to index
      %swap3A_484 = tpu.vector_load %arg8[%swap3A_482, %swap3A_483] {strides = array<i32>} : memref<100x128xf32, #tpu.memory_space<vmem>>, vector<1x16xf32>,
      %swap3A_485 = vector.shape_cast %swap3A_484 : vector<1x16xf32> to vector<16xf32>
      %swap3A_486 = vector.shape_cast %exp3A_476 : vector<16xf32> to vector<1x16xf32>
      tpu.vector_store %arg8[%swap3A_482, %swap3A_483], %swap3A_486 {strides = array<i32>} : memref<100x128xf32, #tpu.memory_space<vmem>>, vector<1x16xf32>,
      %add3A_487 = arith.addf %add3A_457, %exp3A_475 : vector<16xf32>
      %add3A_488 = arith.addf %add3A_458, %exp3A_476 : vector<16xf32>
      %eq3A_489 = vector.broadcast %scan3A_466 : i32 to vector<16xi32>
      %eq3A_490 = arith.cmpi eq, %get3A_61, %eq3A_489 : vector<16xi32>
      %select_n3A_491 = arith.select %eq3A_490, %get3A_470, %select_n3A_461 : vector<16xi1>, vector<16xf32>
      %eq3A_492 = vector.broadcast %scan3A_466 : i32 to vector<16xi32>
      %eq3A_493 = arith.cmpi eq, %get3A_68, %eq3A_492 : vector<16xi32>
      %select_n3A_494 = arith.select %eq3A_493, %get3A_474, %select_n3A_464 : vector<16xi1>, vector<16xf32>
      scf.yield %add3A_487, %add3A_488, %select_n3A_491, %select_n3A_494 : vector<16xf32>, vector<16xf32>, vector<16xf32>, vector<16xf32>
    }
    %scan3A_76 = arith.constant 100 : i32
    %div3A_77 = arith.constant 1.000000e+00 : f32
    %div3A_78 = vector.broadcast %div3A_77 : f32 to vector<16xf32>
    %div3A_79 = arith.divf %div3A_78, %scan3A_75#0 : vector<16xf32>
    %div3A_80 = arith.constant 1.000000e+00 : f32
    %div3A_81 = vector.broadcast %div3A_80 : f32 to vector<16xf32>
    %div3A_82 = arith.divf %div3A_81, %scan3A_75#1 : vector<16xf32>
    %dma_wait3A_83 = arith.constant 0 : i32
    %dma_wait3A_84 = tpu.memref_slice %arg4[%dma_wait3A_83, %add3A_41] : memref<100x1000000xf32, #tpu.memory_space<hbm>> -> memref<100x128xf32, #tpu.memory_space<hbm>>
    %dma_wait3A_85 = arith.constant 0 : i32
    %dma_wait3A_86 = tpu.memref_slice %arg4[%dma_wait3A_85, %add3A_41] : memref<100x1000000xf32, #tpu.memory_space<hbm>> -> memref<100x128xf32, #tpu.memory_space<hbm>>
    tpu.wait_dma2 semaphore(%arg13 : memref<!tpu.dma_semaphore, #tpu.memory_space<semaphore_mem>>) src(%dma_wait3A_86 : memref<100x128xf32, #tpu.memory_space<hbm>>) dst(%arg9 : memref<100x128xf32, #tpu.memory_space<vmem>>)
    %scan3A_87 = arith.constant 0 : i32
    %scan3A_88 = arith.constant 100 : i32
    %scan3A_89 = arith.addi %scan3A_87, %scan3A_88 : i32
    %scan3A_90 = arith.constant 4 : i32
    %scan3A_91:6 = scf.for %scan3A_373 = %scan3A_87 to %scan3A_89 step %scan3A_90 iter_args(%scan3A_374 = %broadcast_in_dim3A_46, %scan3A_375 = %broadcast_in_dim3A_46, %scan3A_376 = %broadcast_in_dim3A_46, %scan3A_377 = %broadcast_in_dim3A_46, %scan3A_378 = %broadcast_in_dim3A_46, %scan3A_379 = %broadcast_in_dim3A_46) -> (vector<16xf32>, vector<16xf32>, vector<16xf32>, vector<16xf32>, vector<16xf32>, vector<16xf32>)  : i32 {
      %get3A_380 = arith.index_cast %scan3A_373 : i32 to index
      %get3A_381 = arith.index_cast %add3A_50 : i32 to index
      %get3A_382 = tpu.vector_load %arg8[%get3A_380, %get3A_381] {strides = array<i32>} : memref<100x128xf32, #tpu.memory_space<vmem>>, vector<1x16xf32>,
      %get3A_383 = vector.shape_cast %get3A_382 : vector<1x16xf32> to vector<16xf32>
      %mul3A_384 = arith.mulf %get3A_383, %div3A_79 : vector<16xf32>
      %jit3A_385 = arith.constant 9.99999974E-5 : f32
      %jit3A_386 = arith.constant 0.999899983 : f32
      %max3A = vector.broadcast %jit3A_385 : f32 to vector<16xf32>
      %max3A_387 = arith.maximumf %max3A, %mul3A_384 : vector<16xf32>
      %min3A = vector.broadcast %jit3A_386 : f32 to vector<16xf32>
      %min3A_388 = arith.minimumf %min3A, %max3A_387 : vector<16xf32>
      %get3A_389 = arith.index_cast %scan3A_373 : i32 to index
      %get3A_390 = arith.index_cast %add3A_54 : i32 to index
      %get3A_391 = tpu.vector_load %arg8[%get3A_389, %get3A_390] {strides = array<i32>} : memref<100x128xf32, #tpu.memory_space<vmem>>, vector<1x16xf32>,
      %get3A_392 = vector.shape_cast %get3A_391 : vector<1x16xf32> to vector<16xf32>
      %mul3A_393 = arith.mulf %get3A_392, %div3A_82 : vector<16xf32>
      %jit3A_394 = arith.constant 9.99999974E-5 : f32
      %jit3A_395 = arith.constant 0.999899983 : f32
      %max3A_396 = vector.broadcast %jit3A_394 : f32 to vector<16xf32>
      %max3A_397 = arith.maximumf %max3A_396, %mul3A_393 : vector<16xf32>
      %min3A_398 = vector.broadcast %jit3A_395 : f32 to vector<16xf32>
      %min3A_399 = arith.minimumf %min3A_398, %max3A_397 : vector<16xf32>
      %get3A_400 = arith.index_cast %scan3A_373 : i32 to index
      %get3A_401 = arith.index_cast %add3A_50 : i32 to index
      %get3A_402 = tpu.vector_load %arg9[%get3A_400, %get3A_401] {strides = array<i32>} : memref<100x128xf32, #tpu.memory_space<vmem>>, vector<1x16xf32>,
      %get3A_403 = vector.shape_cast %get3A_402 : vector<1x16xf32> to vector<16xf32>
      %get3A_404 = arith.index_cast %scan3A_373 : i32 to index
      %get3A_405 = arith.index_cast %add3A_54 : i32 to index
      %get3A_406 = tpu.vector_load %arg9[%get3A_404, %get3A_405] {strides = array<i32>} : memref<100x128xf32, #tpu.memory_space<vmem>>, vector<1x16xf32>,
      %get3A_407 = vector.shape_cast %get3A_406 : vector<1x16xf32> to vector<16xf32>
      %add3A_408 = arith.addf %scan3A_374, %min3A_388 : vector<16xf32>
      %add3A_409 = arith.addf %scan3A_375, %min3A_399 : vector<16xf32>
      %mul3A_410 = arith.mulf %get3A_403, %min3A_388 : vector<16xf32>
      %add3A_411 = arith.addf %scan3A_376, %mul3A_410 : vector<16xf32>
      %mul3A_412 = arith.mulf %get3A_407, %min3A_399 : vector<16xf32>
      %add3A_413 = arith.addf %scan3A_377, %mul3A_412 : vector<16xf32>
      %mul3A_414 = arith.mulf %min3A_388, %min3A_388 : vector<16xf32>
      %add3A_415 = arith.addf %scan3A_378, %mul3A_414 : vector<16xf32>
      %mul3A_416 = arith.mulf %min3A_399, %min3A_399 : vector<16xf32>
      %add3A_417 = arith.addf %scan3A_379, %mul3A_416 : vector<16xf32>
      %scan3A_418 = arith.constant 1 : i32
      %scan3A_419 = arith.addi %scan3A_373, %scan3A_418 : i32
      %get3A_420 = arith.index_cast %scan3A_419 : i32 to index
      %get3A_421 = arith.index_cast %add3A_50 : i32 to index
      %get3A_422 = tpu.vector_load %arg8[%get3A_420, %get3A_421] {strides = array<i32>} : memref<100x128xf32, #tpu.memory_space<vmem>>, vector<1x16xf32>,
      %get3A_423 = vector.shape_cast %get3A_422 : vector<1x16xf32> to vector<16xf32>
      %mul3A_424 = arith.mulf %get3A_423, %div3A_79 : vector<16xf32>
      %jit3A_425 = arith.constant 9.99999974E-5 : f32
      %jit3A_426 = arith.constant 0.999899983 : f32
      %max3A_427 = vector.broadcast %jit3A_425 : f32 to vector<16xf32>
      %max3A_428 = arith.maximumf %max3A_427, %mul3A_424 : vector<16xf32>
      %min3A_429 = vector.broadcast %jit3A_426 : f32 to vector<16xf32>
      %min3A_430 = arith.minimumf %min3A_429, %max3A_428 : vector<16xf32>
      %get3A_431 = arith.index_cast %scan3A_419 : i32 to index
      %get3A_432 = arith.index_cast %add3A_54 : i32 to index
      %get3A_433 = tpu.vector_load %arg8[%get3A_431, %get3A_432] {strides = array<i32>} : memref<100x128xf32, #tpu.memory_space<vmem>>, vector<1x16xf32>,
      %get3A_434 = vector.shape_cast %get3A_433 : vector<1x16xf32> to vector<16xf32>
      %mul3A_435 = arith.mulf %get3A_434, %div3A_82 : vector<16xf32>
      %jit3A_436 = arith.constant 9.99999974E-5 : f32
      %jit3A_437 = arith.constant 0.999899983 : f32
      %max3A_438 = vector.broadcast %jit3A_436 : f32 to vector<16xf32>
      %max3A_439 = arith.maximumf %max3A_438, %mul3A_435 : vector<16xf32>
      %min3A_440 = vector.broadcast %jit3A_437 : f32 to vector<16xf32>
      %min3A_441 = arith.minimumf %min3A_440, %max3A_439 : vector<16xf32>
      %get3A_442 = arith.index_cast %scan3A_419 : i32 to index
      %get3A_443 = arith.index_cast %add3A_50 : i32 to index
      %get3A_444 = tpu.vector_load %arg9[%get3A_442, %get3A_443] {strides = array<i32>} : memref<100x128xf32, #tpu.memory_space<vmem>>, vector<1x16xf32>,
      %get3A_445 = vector.shape_cast %get3A_444 : vector<1x16xf32> to vector<16xf32>
      %get3A_446 = arith.index_cast %scan3A_419 : i32 to index
      %get3A_447 = arith.index_cast %add3A_54 : i32 to index
      %get3A_448 = tpu.vector_load %arg9[%get3A_446, %get3A_447] {strides = array<i32>} : memref<100x128xf32, #tpu.memory_space<vmem>>, vector<1x16xf32>,
      %get3A_449 = vector.shape_cast %get3A_448 : vector<1x16xf32> to vector<16xf32>
      %add3A_450 = arith.addf %add3A_408, %min3A_430 : vector<16xf32>
      %add3A_451 = arith.addf %add3A_409, %min3A_441 : vector<16xf32>
      %mul3A_452 = arith.mulf %get3A_445, %min3A_430 : vector<16xf32>
      %add3A_453 = arith.addf %add3A_411, %mul3A_452 : vector<16xf32>
      %mul3A_454 = arith.mulf %get3A_449, %min3A_441 : vector<16xf32>
      %add3A_455 = arith.addf %add3A_413, %mul3A_454 : vector<16xf32>
      %mul3A_456 = arith.mulf %min3A_430, %min3A_430 : vector<16xf32>
      %add3A_457 = arith.addf %add3A_415, %mul3A_456 : vector<16xf32>
      %mul3A_458 = arith.mulf %min3A_441, %min3A_441 : vector<16xf32>
      %add3A_459 = arith.addf %add3A_417, %mul3A_458 : vector<16xf32>
      %scan3A_460 = arith.constant 2 : i32
      %scan3A_461 = arith.addi %scan3A_373, %scan3A_460 : i32
      %get3A_462 = arith.index_cast %scan3A_461 : i32 to index
      %get3A_463 = arith.index_cast %add3A_50 : i32 to index
      %get3A_464 = tpu.vector_load %arg8[%get3A_462, %get3A_463] {strides = array<i32>} : memref<100x128xf32, #tpu.memory_space<vmem>>, vector<1x16xf32>,
      %get3A_465 = vector.shape_cast %get3A_464 : vector<1x16xf32> to vector<16xf32>
      %mul3A_466 = arith.mulf %get3A_465, %div3A_79 : vector<16xf32>
      %jit3A_467 = arith.constant 9.99999974E-5 : f32
      %jit3A_468 = arith.constant 0.999899983 : f32
      %max3A_469 = vector.broadcast %jit3A_467 : f32 to vector<16xf32>
      %max3A_470 = arith.maximumf %max3A_469, %mul3A_466 : vector<16xf32>
      %min3A_471 = vector.broadcast %jit3A_468 : f32 to vector<16xf32>
      %min3A_472 = arith.minimumf %min3A_471, %max3A_470 : vector<16xf32>
      %get3A_473 = arith.index_cast %scan3A_461 : i32 to index
      %get3A_474 = arith.index_cast %add3A_54 : i32 to index
      %get3A_475 = tpu.vector_load %arg8[%get3A_473, %get3A_474] {strides = array<i32>} : memref<100x128xf32, #tpu.memory_space<vmem>>, vector<1x16xf32>,
      %get3A_476 = vector.shape_cast %get3A_475 : vector<1x16xf32> to vector<16xf32>
      %mul3A_477 = arith.mulf %get3A_476, %div3A_82 : vector<16xf32>
      %jit3A_478 = arith.constant 9.99999974E-5 : f32
      %jit3A_479 = arith.constant 0.999899983 : f32
      %max3A_480 = vector.broadcast %jit3A_478 : f32 to vector<16xf32>
      %max3A_481 = arith.maximumf %max3A_480, %mul3A_477 : vector<16xf32>
      %min3A_482 = vector.broadcast %jit3A_479 : f32 to vector<16xf32>
      %min3A_483 = arith.minimumf %min3A_482, %max3A_481 : vector<16xf32>
      %get3A_484 = arith.index_cast %scan3A_461 : i32 to index
      %get3A_485 = arith.index_cast %add3A_50 : i32 to index
      %get3A_486 = tpu.vector_load %arg9[%get3A_484, %get3A_485] {strides = array<i32>} : memref<100x128xf32, #tpu.memory_space<vmem>>, vector<1x16xf32>,
      %get3A_487 = vector.shape_cast %get3A_486 : vector<1x16xf32> to vector<16xf32>
      %get3A_488 = arith.index_cast %scan3A_461 : i32 to index
      %get3A_489 = arith.index_cast %add3A_54 : i32 to index
      %get3A_490 = tpu.vector_load %arg9[%get3A_488, %get3A_489] {strides = array<i32>} : memref<100x128xf32, #tpu.memory_space<vmem>>, vector<1x16xf32>,
      %get3A_491 = vector.shape_cast %get3A_490 : vector<1x16xf32> to vector<16xf32>
      %add3A_492 = arith.addf %add3A_450, %min3A_472 : vector<16xf32>
      %add3A_493 = arith.addf %add3A_451, %min3A_483 : vector<16xf32>
      %mul3A_494 = arith.mulf %get3A_487, %min3A_472 : vector<16xf32>
      %add3A_495 = arith.addf %add3A_453, %mul3A_494 : vector<16xf32>
      %mul3A_496 = arith.mulf %get3A_491, %min3A_483 : vector<16xf32>
      %add3A_497 = arith.addf %add3A_455, %mul3A_496 : vector<16xf32>
      %mul3A_498 = arith.mulf %min3A_472, %min3A_472 : vector<16xf32>
      %add3A_499 = arith.addf %add3A_457, %mul3A_498 : vector<16xf32>
      %mul3A_500 = arith.mulf %min3A_483, %min3A_483 : vector<16xf32>
      %add3A_501 = arith.addf %add3A_459, %mul3A_500 : vector<16xf32>
      %scan3A_502 = arith.constant 3 : i32
      %scan3A_503 = arith.addi %scan3A_373, %scan3A_502 : i32
      %get3A_504 = arith.index_cast %scan3A_503 : i32 to index
      %get3A_505 = arith.index_cast %add3A_50 : i32 to index
      %get3A_506 = tpu.vector_load %arg8[%get3A_504, %get3A_505] {strides = array<i32>} : memref<100x128xf32, #tpu.memory_space<vmem>>, vector<1x16xf32>,
      %get3A_507 = vector.shape_cast %get3A_506 : vector<1x16xf32> to vector<16xf32>
      %mul3A_508 = arith.mulf %get3A_507, %div3A_79 : vector<16xf32>
      %jit3A_509 = arith.constant 9.99999974E-5 : f32
      %jit3A_510 = arith.constant 0.999899983 : f32
      %max3A_511 = vector.broadcast %jit3A_509 : f32 to vector<16xf32>
      %max3A_512 = arith.maximumf %max3A_511, %mul3A_508 : vector<16xf32>
      %min3A_513 = vector.broadcast %jit3A_510 : f32 to vector<16xf32>
      %min3A_514 = arith.minimumf %min3A_513, %max3A_512 : vector<16xf32>
      %get3A_515 = arith.index_cast %scan3A_503 : i32 to index
      %get3A_516 = arith.index_cast %add3A_54 : i32 to index
      %get3A_517 = tpu.vector_load %arg8[%get3A_515, %get3A_516] {strides = array<i32>} : memref<100x128xf32, #tpu.memory_space<vmem>>, vector<1x16xf32>,
      %get3A_518 = vector.shape_cast %get3A_517 : vector<1x16xf32> to vector<16xf32>
      %mul3A_519 = arith.mulf %get3A_518, %div3A_82 : vector<16xf32>
      %jit3A_520 = arith.constant 9.99999974E-5 : f32
      %jit3A_521 = arith.constant 0.999899983 : f32
      %max3A_522 = vector.broadcast %jit3A_520 : f32 to vector<16xf32>
      %max3A_523 = arith.maximumf %max3A_522, %mul3A_519 : vector<16xf32>
      %min3A_524 = vector.broadcast %jit3A_521 : f32 to vector<16xf32>
      %min3A_525 = arith.minimumf %min3A_524, %max3A_523 : vector<16xf32>
      %get3A_526 = arith.index_cast %scan3A_503 : i32 to index
      %get3A_527 = arith.index_cast %add3A_50 : i32 to index
      %get3A_528 = tpu.vector_load %arg9[%get3A_526, %get3A_527] {strides = array<i32>} : memref<100x128xf32, #tpu.memory_space<vmem>>, vector<1x16xf32>,
      %get3A_529 = vector.shape_cast %get3A_528 : vector<1x16xf32> to vector<16xf32>
      %get3A_530 = arith.index_cast %scan3A_503 : i32 to index
      %get3A_531 = arith.index_cast %add3A_54 : i32 to index
      %get3A_532 = tpu.vector_load %arg9[%get3A_530, %get3A_531] {strides = array<i32>} : memref<100x128xf32, #tpu.memory_space<vmem>>, vector<1x16xf32>,
      %get3A_533 = vector.shape_cast %get3A_532 : vector<1x16xf32> to vector<16xf32>
      %add3A_534 = arith.addf %add3A_492, %min3A_514 : vector<16xf32>
      %add3A_535 = arith.addf %add3A_493, %min3A_525 : vector<16xf32>
      %mul3A_536 = arith.mulf %get3A_529, %min3A_514 : vector<16xf32>
      %add3A_537 = arith.addf %add3A_495, %mul3A_536 : vector<16xf32>
      %mul3A_538 = arith.mulf %get3A_533, %min3A_525 : vector<16xf32>
      %add3A_539 = arith.addf %add3A_497, %mul3A_538 : vector<16xf32>
      %mul3A_540 = arith.mulf %min3A_514, %min3A_514 : vector<16xf32>
      %add3A_541 = arith.addf %add3A_499, %mul3A_540 : vector<16xf32>
      %mul3A_542 = arith.mulf %min3A_525, %min3A_525 : vector<16xf32>
      %add3A_543 = arith.addf %add3A_501, %mul3A_542 : vector<16xf32>
      scf.yield %add3A_534, %add3A_535, %add3A_537, %add3A_539, %add3A_541, %add3A_543 : vector<16xf32>, vector<16xf32>, vector<16xf32>, vector<16xf32>, vector<16xf32>, vector<16xf32>
    }
    %scan3A_92 = arith.constant 100 : i32
    %bitcast_convert_type3A = tpu.bitcast %scan3A_75#0 : vector<16xf32> -> vector<16xi32>
    %shift_right_logical3A = arith.constant 23 : i32
    %shift_right_logical3A_93 = vector.broadcast %shift_right_logical3A : i32 to vector<16xi32>
    %shift_right_logical3A_94 = arith.shrui %bitcast_convert_type3A, %shift_right_logical3A_93 : vector<16xi32>
    %sub3A_95 = arith.constant 127 : i32
    %sub3A_96 = vector.broadcast %sub3A_95 : i32 to vector<16xi32>
    %sub3A_97 = arith.subi %shift_right_logical3A_94, %sub3A_96 : vector<16xi32>
    %and3A_98 = arith.constant 8388607 : i32
    %and3A_99 = vector.broadcast %and3A_98 : i32 to vector<16xi32>
    %and3A_100 = arith.andi %bitcast_convert_type3A, %and3A_99 : vector<16xi32>
    %or3A = arith.constant 1065353216 : i32
    %or3A_101 = vector.broadcast %or3A : i32 to vector<16xi32>
    %or3A_102 = arith.ori %and3A_100, %or3A_101 : vector<16xi32>
    %bitcast_convert_type3A_103 = tpu.bitcast %or3A_102 : vector<16xi32> -> vector<16xf32>
    %gt3A = arith.constant 1.41421354 : f32
    %gt3A_104 = vector.broadcast %gt3A : f32 to vector<16xf32>
    %gt3A_105 = arith.cmpf ogt, %bitcast_convert_type3A_103, %gt3A_104 : vector<16xf32>
    %mul3A_106 = arith.constant 5.000000e-01 : f32
    %mul3A_107 = vector.broadcast %mul3A_106 : f32 to vector<16xf32>
    %mul3A_108 = arith.mulf %mul3A_107, %bitcast_convert_type3A_103 : vector<16xf32>
    %select_n3A_109 = arith.select %gt3A_105, %mul3A_108, %bitcast_convert_type3A_103 : vector<16xi1>, vector<16xf32>
    %convert_element_type3A = arith.sitofp %sub3A_97 : vector<16xi32> to vector<16xf32>
    %jit3A_110 = arith.constant 1.000000e+00 : f32
    %jit3A_111 = arith.constant 0.000000e+00 : f32
    %broadcast_in_dim3A_112 = vector.broadcast %jit3A_110 : f32 to vector<16xf32>
    %broadcast_in_dim3A_113 = vector.broadcast %jit3A_111 : f32 to vector<16xf32>
    %select_n3A_114 = arith.select %gt3A_105, %broadcast_in_dim3A_112, %broadcast_in_dim3A_113 : vector<16xi1>, vector<16xf32>
    %add3A_115 = arith.addf %convert_element_type3A, %select_n3A_114 : vector<16xf32>
    %sub3A_116 = arith.constant 1.000000e+00 : f32
    %sub3A_117 = vector.broadcast %sub3A_116 : f32 to vector<16xf32>
    %sub3A_118 = arith.subf %select_n3A_109, %sub3A_117 : vector<16xf32>
    %add3A_119 = arith.constant 1.000000e+00 : f32
    %add3A_120 = vector.broadcast %add3A_119 : f32 to vector<16xf32>
    %add3A_121 = arith.addf %select_n3A_109, %add3A_120 : vector<16xf32>
    %div3A_122 = arith.divf %sub3A_118, %add3A_121 : vector<16xf32>
    %mul3A_123 = arith.mulf %div3A_122, %div3A_122 : vector<16xf32>
    %mul3A_124 = arith.constant 2.000000e+00 : f32
    %mul3A_125 = vector.broadcast %mul3A_124 : f32 to vector<16xf32>
    %mul3A_126 = arith.mulf %mul3A_125, %div3A_122 : vector<16xf32>
    %mul3A_127 = arith.constant 0.111111112 : f32
    %mul3A_128 = vector.broadcast %mul3A_127 : f32 to vector<16xf32>
    %mul3A_129 = arith.mulf %mul3A_123, %mul3A_128 : vector<16xf32>
    %add3A_130 = arith.constant 0.142857149 : f32
    %add3A_131 = vector.broadcast %add3A_130 : f32 to vector<16xf32>
    %add3A_132 = arith.addf %add3A_131, %mul3A_129 : vector<16xf32>
    %mul3A_133 = arith.mulf %mul3A_123, %add3A_132 : vector<16xf32>
    %add3A_134 = arith.constant 2.000000e-01 : f32
    %add3A_135 = vector.broadcast %add3A_134 : f32 to vector<16xf32>
    %add3A_136 = arith.addf %add3A_135, %mul3A_133 : vector<16xf32>
    %mul3A_137 = arith.mulf %mul3A_123, %add3A_136 : vector<16xf32>
    %add3A_138 = arith.constant 0.333333343 : f32
    %add3A_139 = vector.broadcast %add3A_138 : f32 to vector<16xf32>
    %add3A_140 = arith.addf %add3A_139, %mul3A_137 : vector<16xf32>
    %mul3A_141 = arith.mulf %mul3A_123, %add3A_140 : vector<16xf32>
    %add3A_142 = arith.constant 1.000000e+00 : f32
    %add3A_143 = vector.broadcast %add3A_142 : f32 to vector<16xf32>
    %add3A_144 = arith.addf %add3A_143, %mul3A_141 : vector<16xf32>
    %mul3A_145 = arith.mulf %mul3A_126, %add3A_144 : vector<16xf32>
    %mul3A_146 = arith.constant 0.693147182 : f32
    %mul3A_147 = vector.broadcast %mul3A_146 : f32 to vector<16xf32>
    %mul3A_148 = arith.mulf %add3A_115, %mul3A_147 : vector<16xf32>
    %add3A_149 = arith.addf %mul3A_148, %mul3A_145 : vector<16xf32>
    %sub3A_150 = arith.subf %scan3A_75#2, %add3A_149 : vector<16xf32>
    %mul3A_151 = arith.constant 0.699999988 : f32
    %mul3A_152 = vector.broadcast %mul3A_151 : f32 to vector<16xf32>
    %mul3A_153 = arith.mulf %mul3A_152, %scan3A_91#2 : vector<16xf32>
    %mul3A_154 = arith.constant 3.000000e-01 : f32
    %mul3A_155 = vector.broadcast %mul3A_154 : f32 to vector<16xf32>
    %mul3A_156 = arith.mulf %mul3A_155, %scan3A_91#4 : vector<16xf32>
    %div3A_157 = arith.divf %mul3A_156, %scan3A_91#0 : vector<16xf32>
    %add3A_158 = arith.addf %mul3A_153, %div3A_157 : vector<16xf32>
    %sub3A_159 = arith.subf %broadcast_in_dim3A_46, %sub3A_150 : vector<16xf32>
    %sub3A_160 = arith.constant 1.000000e+00 : f32
    %sub3A_161 = vector.broadcast %sub3A_160 : f32 to vector<16xf32>
    %sub3A_162 = arith.subf %sub3A_161, %add3A_158 : vector<16xf32>
    %bitcast_convert_type3A_163 = tpu.bitcast %sub3A_162 : vector<16xf32> -> vector<16xi32>
    %shift_right_logical3A_164 = arith.constant 23 : i32
    %shift_right_logical3A_165 = vector.broadcast %shift_right_logical3A_164 : i32 to vector<16xi32>
    %shift_right_logical3A_166 = arith.shrui %bitcast_convert_type3A_163, %shift_right_logical3A_165 : vector<16xi32>
    %sub3A_167 = arith.constant 127 : i32
    %sub3A_168 = vector.broadcast %sub3A_167 : i32 to vector<16xi32>
    %sub3A_169 = arith.subi %shift_right_logical3A_166, %sub3A_168 : vector<16xi32>
    %and3A_170 = arith.constant 8388607 : i32
    %and3A_171 = vector.broadcast %and3A_170 : i32 to vector<16xi32>
    %and3A_172 = arith.andi %bitcast_convert_type3A_163, %and3A_171 : vector<16xi32>
    %or3A_173 = arith.constant 1065353216 : i32
    %or3A_174 = vector.broadcast %or3A_173 : i32 to vector<16xi32>
    %or3A_175 = arith.ori %and3A_172, %or3A_174 : vector<16xi32>
    %bitcast_convert_type3A_176 = tpu.bitcast %or3A_175 : vector<16xi32> -> vector<16xf32>
    %gt3A_177 = arith.constant 1.41421354 : f32
    %gt3A_178 = vector.broadcast %gt3A_177 : f32 to vector<16xf32>
    %gt3A_179 = arith.cmpf ogt, %bitcast_convert_type3A_176, %gt3A_178 : vector<16xf32>
    %mul3A_180 = arith.constant 5.000000e-01 : f32
    %mul3A_181 = vector.broadcast %mul3A_180 : f32 to vector<16xf32>
    %mul3A_182 = arith.mulf %mul3A_181, %bitcast_convert_type3A_176 : vector<16xf32>
    %select_n3A_183 = arith.select %gt3A_179, %mul3A_182, %bitcast_convert_type3A_176 : vector<16xi1>, vector<16xf32>
    %convert_element_type3A_184 = arith.sitofp %sub3A_169 : vector<16xi32> to vector<16xf32>
    %jit3A_185 = arith.constant 1.000000e+00 : f32
    %jit3A_186 = arith.constant 0.000000e+00 : f32
    %broadcast_in_dim3A_187 = vector.broadcast %jit3A_185 : f32 to vector<16xf32>
    %broadcast_in_dim3A_188 = vector.broadcast %jit3A_186 : f32 to vector<16xf32>
    %select_n3A_189 = arith.select %gt3A_179, %broadcast_in_dim3A_187, %broadcast_in_dim3A_188 : vector<16xi1>, vector<16xf32>
    %add3A_190 = arith.addf %convert_element_type3A_184, %select_n3A_189 : vector<16xf32>
    %sub3A_191 = arith.constant 1.000000e+00 : f32
    %sub3A_192 = vector.broadcast %sub3A_191 : f32 to vector<16xf32>
    %sub3A_193 = arith.subf %select_n3A_183, %sub3A_192 : vector<16xf32>
    %add3A_194 = arith.constant 1.000000e+00 : f32
    %add3A_195 = vector.broadcast %add3A_194 : f32 to vector<16xf32>
    %add3A_196 = arith.addf %select_n3A_183, %add3A_195 : vector<16xf32>
    %div3A_197 = arith.divf %sub3A_193, %add3A_196 : vector<16xf32>
    %mul3A_198 = arith.mulf %div3A_197, %div3A_197 : vector<16xf32>
    %mul3A_199 = arith.constant 2.000000e+00 : f32
    %mul3A_200 = vector.broadcast %mul3A_199 : f32 to vector<16xf32>
    %mul3A_201 = arith.mulf %mul3A_200, %div3A_197 : vector<16xf32>
    %mul3A_202 = arith.constant 0.111111112 : f32
    %mul3A_203 = vector.broadcast %mul3A_202 : f32 to vector<16xf32>
    %mul3A_204 = arith.mulf %mul3A_198, %mul3A_203 : vector<16xf32>
    %add3A_205 = arith.constant 0.142857149 : f32
    %add3A_206 = vector.broadcast %add3A_205 : f32 to vector<16xf32>
    %add3A_207 = arith.addf %add3A_206, %mul3A_204 : vector<16xf32>
    %mul3A_208 = arith.mulf %mul3A_198, %add3A_207 : vector<16xf32>
    %add3A_209 = arith.constant 2.000000e-01 : f32
    %add3A_210 = vector.broadcast %add3A_209 : f32 to vector<16xf32>
    %add3A_211 = arith.addf %add3A_210, %mul3A_208 : vector<16xf32>
    %mul3A_212 = arith.mulf %mul3A_198, %add3A_211 : vector<16xf32>
    %add3A_213 = arith.constant 0.333333343 : f32
    %add3A_214 = vector.broadcast %add3A_213 : f32 to vector<16xf32>
    %add3A_215 = arith.addf %add3A_214, %mul3A_212 : vector<16xf32>
    %mul3A_216 = arith.mulf %mul3A_198, %add3A_215 : vector<16xf32>
    %add3A_217 = arith.constant 1.000000e+00 : f32
    %add3A_218 = vector.broadcast %add3A_217 : f32 to vector<16xf32>
    %add3A_219 = arith.addf %add3A_218, %mul3A_216 : vector<16xf32>
    %mul3A_220 = arith.mulf %mul3A_201, %add3A_219 : vector<16xf32>
    %mul3A_221 = arith.constant 0.693147182 : f32
    %mul3A_222 = vector.broadcast %mul3A_221 : f32 to vector<16xf32>
    %mul3A_223 = arith.mulf %add3A_190, %mul3A_222 : vector<16xf32>
    %add3A_224 = arith.addf %mul3A_223, %mul3A_220 : vector<16xf32>
    %mul3A_225 = arith.constant 3.000000e+00 : f32
    %mul3A_226 = vector.broadcast %mul3A_225 : f32 to vector<16xf32>
    %mul3A_227 = arith.mulf %mul3A_226, %add3A_224 : vector<16xf32>
    %add3A_228 = arith.addf %sub3A_159, %mul3A_227 : vector<16xf32>
    %bitcast_convert_type3A_229 = tpu.bitcast %scan3A_75#1 : vector<16xf32> -> vector<16xi32>
    %shift_right_logical3A_230 = arith.constant 23 : i32
    %shift_right_logical3A_231 = vector.broadcast %shift_right_logical3A_230 : i32 to vector<16xi32>
    %shift_right_logical3A_232 = arith.shrui %bitcast_convert_type3A_229, %shift_right_logical3A_231 : vector<16xi32>
    %sub3A_233 = arith.constant 127 : i32
    %sub3A_234 = vector.broadcast %sub3A_233 : i32 to vector<16xi32>
    %sub3A_235 = arith.subi %shift_right_logical3A_232, %sub3A_234 : vector<16xi32>
    %and3A_236 = arith.constant 8388607 : i32
    %and3A_237 = vector.broadcast %and3A_236 : i32 to vector<16xi32>
    %and3A_238 = arith.andi %bitcast_convert_type3A_229, %and3A_237 : vector<16xi32>
    %or3A_239 = arith.constant 1065353216 : i32
    %or3A_240 = vector.broadcast %or3A_239 : i32 to vector<16xi32>
    %or3A_241 = arith.ori %and3A_238, %or3A_240 : vector<16xi32>
    %bitcast_convert_type3A_242 = tpu.bitcast %or3A_241 : vector<16xi32> -> vector<16xf32>
    %gt3A_243 = arith.constant 1.41421354 : f32
    %gt3A_244 = vector.broadcast %gt3A_243 : f32 to vector<16xf32>
    %gt3A_245 = arith.cmpf ogt, %bitcast_convert_type3A_242, %gt3A_244 : vector<16xf32>
    %mul3A_246 = arith.constant 5.000000e-01 : f32
    %mul3A_247 = vector.broadcast %mul3A_246 : f32 to vector<16xf32>
    %mul3A_248 = arith.mulf %mul3A_247, %bitcast_convert_type3A_242 : vector<16xf32>
    %select_n3A_249 = arith.select %gt3A_245, %mul3A_248, %bitcast_convert_type3A_242 : vector<16xi1>, vector<16xf32>
    %convert_element_type3A_250 = arith.sitofp %sub3A_235 : vector<16xi32> to vector<16xf32>
    %jit3A_251 = arith.constant 1.000000e+00 : f32
    %jit3A_252 = arith.constant 0.000000e+00 : f32
    %broadcast_in_dim3A_253 = vector.broadcast %jit3A_251 : f32 to vector<16xf32>
    %broadcast_in_dim3A_254 = vector.broadcast %jit3A_252 : f32 to vector<16xf32>
    %select_n3A_255 = arith.select %gt3A_245, %broadcast_in_dim3A_253, %broadcast_in_dim3A_254 : vector<16xi1>, vector<16xf32>
    %add3A_256 = arith.addf %convert_element_type3A_250, %select_n3A_255 : vector<16xf32>
    %sub3A_257 = arith.constant 1.000000e+00 : f32
    %sub3A_258 = vector.broadcast %sub3A_257 : f32 to vector<16xf32>
    %sub3A_259 = arith.subf %select_n3A_249, %sub3A_258 : vector<16xf32>
    %add3A_260 = arith.constant 1.000000e+00 : f32
    %add3A_261 = vector.broadcast %add3A_260 : f32 to vector<16xf32>
    %add3A_262 = arith.addf %select_n3A_249, %add3A_261 : vector<16xf32>
    %div3A_263 = arith.divf %sub3A_259, %add3A_262 : vector<16xf32>
    %mul3A_264 = arith.mulf %div3A_263, %div3A_263 : vector<16xf32>
    %mul3A_265 = arith.constant 2.000000e+00 : f32
    %mul3A_266 = vector.broadcast %mul3A_265 : f32 to vector<16xf32>
    %mul3A_267 = arith.mulf %mul3A_266, %div3A_263 : vector<16xf32>
    %mul3A_268 = arith.constant 0.111111112 : f32
    %mul3A_269 = vector.broadcast %mul3A_268 : f32 to vector<16xf32>
    %mul3A_270 = arith.mulf %mul3A_264, %mul3A_269 : vector<16xf32>
    %add3A_271 = arith.constant 0.142857149 : f32
    %add3A_272 = vector.broadcast %add3A_271 : f32 to vector<16xf32>
    %add3A_273 = arith.addf %add3A_272, %mul3A_270 : vector<16xf32>
    %mul3A_274 = arith.mulf %mul3A_264, %add3A_273 : vector<16xf32>
    %add3A_275 = arith.constant 2.000000e-01 : f32
    %add3A_276 = vector.broadcast %add3A_275 : f32 to vector<16xf32>
    %add3A_277 = arith.addf %add3A_276, %mul3A_274 : vector<16xf32>
    %mul3A_278 = arith.mulf %mul3A_264, %add3A_277 : vector<16xf32>
    %add3A_279 = arith.constant 0.333333343 : f32
    %add3A_280 = vector.broadcast %add3A_279 : f32 to vector<16xf32>
    %add3A_281 = arith.addf %add3A_280, %mul3A_278 : vector<16xf32>
    %mul3A_282 = arith.mulf %mul3A_264, %add3A_281 : vector<16xf32>
    %add3A_283 = arith.constant 1.000000e+00 : f32
    %add3A_284 = vector.broadcast %add3A_283 : f32 to vector<16xf32>
    %add3A_285 = arith.addf %add3A_284, %mul3A_282 : vector<16xf32>
    %mul3A_286 = arith.mulf %mul3A_267, %add3A_285 : vector<16xf32>
    %mul3A_287 = arith.constant 0.693147182 : f32
    %mul3A_288 = vector.broadcast %mul3A_287 : f32 to vector<16xf32>
    %mul3A_289 = arith.mulf %add3A_256, %mul3A_288 : vector<16xf32>
    %add3A_290 = arith.addf %mul3A_289, %mul3A_286 : vector<16xf32>
    %sub3A_291 = arith.subf %scan3A_75#3, %add3A_290 : vector<16xf32>
    %mul3A_292 = arith.constant 0.699999988 : f32
    %mul3A_293 = vector.broadcast %mul3A_292 : f32 to vector<16xf32>
    %mul3A_294 = arith.mulf %mul3A_293, %scan3A_91#3 : vector<16xf32>
    %mul3A_295 = arith.constant 3.000000e-01 : f32
    %mul3A_296 = vector.broadcast %mul3A_295 : f32 to vector<16xf32>
    %mul3A_297 = arith.mulf %mul3A_296, %scan3A_91#5 : vector<16xf32>
    %div3A_298 = arith.divf %mul3A_297, %scan3A_91#1 : vector<16xf32>
    %add3A_299 = arith.addf %mul3A_294, %div3A_298 : vector<16xf32>
    %sub3A_300 = arith.subf %add3A_228, %sub3A_291 : vector<16xf32>
    %sub3A_301 = arith.constant 1.000000e+00 : f32
    %sub3A_302 = vector.broadcast %sub3A_301 : f32 to vector<16xf32>
    %sub3A_303 = arith.subf %sub3A_302, %add3A_299 : vector<16xf32>
    %bitcast_convert_type3A_304 = tpu.bitcast %sub3A_303 : vector<16xf32> -> vector<16xi32>
    %shift_right_logical3A_305 = arith.constant 23 : i32
    %shift_right_logical3A_306 = vector.broadcast %shift_right_logical3A_305 : i32 to vector<16xi32>
    %shift_right_logical3A_307 = arith.shrui %bitcast_convert_type3A_304, %shift_right_logical3A_306 : vector<16xi32>
    %sub3A_308 = arith.constant 127 : i32
    %sub3A_309 = vector.broadcast %sub3A_308 : i32 to vector<16xi32>
    %sub3A_310 = arith.subi %shift_right_logical3A_307, %sub3A_309 : vector<16xi32>
    %and3A_311 = arith.constant 8388607 : i32
    %and3A_312 = vector.broadcast %and3A_311 : i32 to vector<16xi32>
    %and3A_313 = arith.andi %bitcast_convert_type3A_304, %and3A_312 : vector<16xi32>
    %or3A_314 = arith.constant 1065353216 : i32
    %or3A_315 = vector.broadcast %or3A_314 : i32 to vector<16xi32>
    %or3A_316 = arith.ori %and3A_313, %or3A_315 : vector<16xi32>
    %bitcast_convert_type3A_317 = tpu.bitcast %or3A_316 : vector<16xi32> -> vector<16xf32>
    %gt3A_318 = arith.constant 1.41421354 : f32
    %gt3A_319 = vector.broadcast %gt3A_318 : f32 to vector<16xf32>
    %gt3A_320 = arith.cmpf ogt, %bitcast_convert_type3A_317, %gt3A_319 : vector<16xf32>
    %mul3A_321 = arith.constant 5.000000e-01 : f32
    %mul3A_322 = vector.broadcast %mul3A_321 : f32 to vector<16xf32>
    %mul3A_323 = arith.mulf %mul3A_322, %bitcast_convert_type3A_317 : vector<16xf32>
    %select_n3A_324 = arith.select %gt3A_320, %mul3A_323, %bitcast_convert_type3A_317 : vector<16xi1>, vector<16xf32>
    %convert_element_type3A_325 = arith.sitofp %sub3A_310 : vector<16xi32> to vector<16xf32>
    %jit3A_326 = arith.constant 1.000000e+00 : f32
    %jit3A_327 = arith.constant 0.000000e+00 : f32
    %broadcast_in_dim3A_328 = vector.broadcast %jit3A_326 : f32 to vector<16xf32>
    %broadcast_in_dim3A_329 = vector.broadcast %jit3A_327 : f32 to vector<16xf32>
    %select_n3A_330 = arith.select %gt3A_320, %broadcast_in_dim3A_328, %broadcast_in_dim3A_329 : vector<16xi1>, vector<16xf32>
    %add3A_331 = arith.addf %convert_element_type3A_325, %select_n3A_330 : vector<16xf32>
    %sub3A_332 = arith.constant 1.000000e+00 : f32
    %sub3A_333 = vector.broadcast %sub3A_332 : f32 to vector<16xf32>
    %sub3A_334 = arith.subf %select_n3A_324, %sub3A_333 : vector<16xf32>
    %add3A_335 = arith.constant 1.000000e+00 : f32
    %add3A_336 = vector.broadcast %add3A_335 : f32 to vector<16xf32>
    %add3A_337 = arith.addf %select_n3A_324, %add3A_336 : vector<16xf32>
    %div3A_338 = arith.divf %sub3A_334, %add3A_337 : vector<16xf32>
    %mul3A_339 = arith.mulf %div3A_338, %div3A_338 : vector<16xf32>
    %mul3A_340 = arith.constant 2.000000e+00 : f32
    %mul3A_341 = vector.broadcast %mul3A_340 : f32 to vector<16xf32>
    %mul3A_342 = arith.mulf %mul3A_341, %div3A_338 : vector<16xf32>
    %mul3A_343 = arith.constant 0.111111112 : f32
    %mul3A_344 = vector.broadcast %mul3A_343 : f32 to vector<16xf32>
    %mul3A_345 = arith.mulf %mul3A_339, %mul3A_344 : vector<16xf32>
    %add3A_346 = arith.constant 0.142857149 : f32
    %add3A_347 = vector.broadcast %add3A_346 : f32 to vector<16xf32>
    %add3A_348 = arith.addf %add3A_347, %mul3A_345 : vector<16xf32>
    %mul3A_349 = arith.mulf %mul3A_339, %add3A_348 : vector<16xf32>
    %add3A_350 = arith.constant 2.000000e-01 : f32
    %add3A_351 = vector.broadcast %add3A_350 : f32 to vector<16xf32>
    %add3A_352 = arith.addf %add3A_351, %mul3A_349 : vector<16xf32>
    %mul3A_353 = arith.mulf %mul3A_339, %add3A_352 : vector<16xf32>
    %add3A_354 = arith.constant 0.333333343 : f32
    %add3A_355 = vector.broadcast %add3A_354 : f32 to vector<16xf32>
    %add3A_356 = arith.addf %add3A_355, %mul3A_353 : vector<16xf32>
    %mul3A_357 = arith.mulf %mul3A_339, %add3A_356 : vector<16xf32>
    %add3A_358 = arith.constant 1.000000e+00 : f32
    %add3A_359 = vector.broadcast %add3A_358 : f32 to vector<16xf32>
    %add3A_360 = arith.addf %add3A_359, %mul3A_357 : vector<16xf32>
    %mul3A_361 = arith.mulf %mul3A_342, %add3A_360 : vector<16xf32>
    %mul3A_362 = arith.constant 0.693147182 : f32
    %mul3A_363 = vector.broadcast %mul3A_362 : f32 to vector<16xf32>
    %mul3A_364 = arith.mulf %add3A_331, %mul3A_363 : vector<16xf32>
    %add3A_365 = arith.addf %mul3A_364, %mul3A_361 : vector<16xf32>
    %mul3A_366 = arith.constant 3.000000e+00 : f32
    %mul3A_367 = vector.broadcast %mul3A_366 : f32 to vector<16xf32>
    %mul3A_368 = arith.mulf %mul3A_367, %add3A_365 : vector<16xf32>
    %add3A_369 = arith.addf %sub3A_300, %mul3A_368 : vector<16xf32>
    %swap3A = arith.constant 0 : index
    %swap3A_370 = tpu.vector_load %arg11[%swap3A] {strides = array<i32>} : memref<16xf32, #tpu.memory_space<vmem>>, vector<16xf32>,
    %swap3A_371 = vector.shape_cast %swap3A_370 : vector<16xf32> to vector<16xf32>
    %swap3A_372 = vector.shape_cast %add3A_369 : vector<16xf32> to vector<16xf32>
    tpu.vector_store %arg11[%swap3A], %swap3A_372 {strides = array<i32>} : memref<16xf32, #tpu.memory_space<vmem>>, vector<16xf32>,
    "tpu.region"() ({
      %run_scoped3A = tpu.sem_alloc : memref<!tpu.dma_semaphore, #tpu.memory_space<semaphore_mem>>
      %dma_start3A_373 = arith.constant 0 : i32
      %dma_start3A_374 = tpu.memref_slice %arg6[%add3A, %dma_start3A_373] : memref<32x16xf32, #tpu.memory_space<hbm>> -> memref<1x16xf32, #tpu.memory_space<hbm>>
      %dma_start3A_375 = tpu.memref_squeeze %dma_start3A_374 : memref<1x16xf32, #tpu.memory_space<hbm>> -> memref<16xf32, #tpu.memory_space<hbm>>
      %dma_start3A_376 = arith.constant 0 : i32
      %dma_start3A_377 = tpu.memref_slice %arg6[%add3A, %dma_start3A_376] : memref<32x16xf32, #tpu.memory_space<hbm>> -> memref<1x16xf32, #tpu.memory_space<hbm>>
      %dma_start3A_378 = tpu.memref_squeeze %dma_start3A_377 : memref<1x16xf32, #tpu.memory_space<hbm>> -> memref<16xf32, #tpu.memory_space<hbm>>
      tpu.enqueue_dma source(%arg11 : memref<16xf32, #tpu.memory_space<vmem>>) target(%dma_start3A_378 : memref<16xf32, #tpu.memory_space<hbm>>) target_semaphore(%run_scoped3A : memref<!tpu.dma_semaphore, #tpu.memory_space<semaphore_mem>>)
      %dma_wait3A_379 = arith.constant 0 : i32
      %dma_wait3A_380 = tpu.memref_slice %arg6[%add3A, %dma_wait3A_379] : memref<32x16xf32, #tpu.memory_space<hbm>> -> memref<1x16xf32, #tpu.memory_space<hbm>>
      %dma_wait3A_381 = tpu.memref_squeeze %dma_wait3A_380 : memref<1x16xf32, #tpu.memory_space<hbm>> -> memref<16xf32, #tpu.memory_space<hbm>>
      %dma_wait3A_382 = arith.constant 0 : i32
      %dma_wait3A_383 = tpu.memref_slice %arg6[%add3A, %dma_wait3A_382] : memref<32x16xf32, #tpu.memory_space<hbm>> -> memref<1x16xf32, #tpu.memory_space<hbm>>
      %dma_wait3A_384 = tpu.memref_squeeze %dma_wait3A_383 : memref<1x16xf32, #tpu.memory_space<hbm>> -> memref<16xf32, #tpu.memory_space<hbm>>
      tpu.wait_dma2 semaphore(%run_scoped3A : memref<!tpu.dma_semaphore, #tpu.memory_space<semaphore_mem>>) src(%arg11 : memref<16xf32, #tpu.memory_space<vmem>>) dst(%dma_wait3A_384 : memref<16xf32, #tpu.memory_space<hbm>>)
      tpu.yield
    }) : () -> ()
    return
  }
}

module attributes {stable_mosaic.version = 14 : i64} {
  func.func @_finish_kernel(%arg0: memref<32x16xf32, #tpu.memory_space<vmem>>, %arg1: memref<1x1xf32, #tpu.memory_space<smem>>) attributes {dimension_semantics = [], scalar_prefetch = 0 : i64, scratch_operands = 0 : i64, tpu.core_type = #tpu.core_type<tc>} {
    %get3A = arith.constant 0 : index
    %get3A_0 = arith.constant 0 : index
    %get3A_1 = vector.load %arg0[%get3A, %get3A_0] : memref<32x16xf32, #tpu.memory_space<vmem>>, vector<32x16xf32>
    %reduce_sum3A = vector.shape_cast %get3A_1 : vector<32x16xf32> to vector<1x32x16xf32>
    %reduce_sum3A_2 = arith.constant dense<0.000000e+00> : vector<1xf32>
    %reduce_sum3A_3 = vector.multi_reduction <add>, %reduce_sum3A, %reduce_sum3A_2 [1, 2] : vector<1x32x16xf32> to vector<1xf32>
    %reduce_sum3A_4 = vector.shape_cast %reduce_sum3A_3 : vector<1xf32> to vector<1x1x1xf32>
    %reduce_sum3A_5 = vector.extract %reduce_sum3A_4[0, 0, 0] : f32 from vector<1x1x1xf32>
    %mul3A = arith.constant 9.765625E-4 : f32
    %mul3A_6 = arith.mulf %reduce_sum3A_5, %mul3A : f32
    %swap3A = arith.constant 0 : index
    %swap3A_7 = arith.constant 0 : index
    %swap3A_8 = memref.load %arg1[%swap3A, %swap3A_7] : memref<1x1xf32, #tpu.memory_space<smem>>
    memref.store %mul3A_6, %arg1[%swap3A, %swap3A_7] : memref<1x1xf32, #tpu.memory_space<smem>>
    return
  }
}

</mosaic_0001>

<sc_bundles>
// kernel: kernel.4.cloned.1.call-start
scs
__scs_entry_jumppad:
0x0: {  	(pc) =	sbr.rel $0x88, $3  }
0x1: {  	(tag) =	ssettag $0x0;
	lr =	simm.s32 $0x1  }
0x2: {  	[smem:$0x3F9D] =	sst lr;
	_ =	strace $0xD0000000  }
0x3: {  	_ = 	snop  }
0x4: {  	_ = 	snop  }
0x5: {  	_ = 	snop  }
0x6: {  	_ = 	snop  }
0x7: {  	_ = 	snop  }
__scs_overlays_trampoline_lowered:
0x8: {  	[smem:$0x3FAC] =	sst s0  }
0x9: {  	[smem:$0x3FAD] =	sst s1  }
0xa: {  	[smem:$0x3FAE] =	sst s2  }
0xb: {  	[smem:$0x3FAF] =	sst s3  }
0xc: {  	[smem:$0x3FB0] =	sst s4  }
0xd: {  	[smem:$0x3FB1] =	sst s5  }
0xe: {  	[smem:$0x3FB2] =	sst s6  }
0xf: {  	[smem:$0x3FB3] =	sst s7  }
0x10: {  	[smem:$0x3FB4] =	sst s8  }
0x11: {  	[smem:$0x3FB5] =	sst s9;
	s0 =	simm.s32 @!p0 $0x0  }
0x12: {  	s1 =	sld [smem:$0x3F9B];
	s0 =	simm.s32 @p0 $0x1  }
0x13: {  	[smem:$0x3FB6] =	sst s0;
	s0 =	simm.s32 @!p1 $0x0  }
0x14: {  	s2 =	sld [smem:$0x3F9A];
	s0 =	simm.s32 @p1 $0x1  }
0x15: {  	[smem:$0x3FB7] =	sst s0;
	s0 =	simm.s32 @!p2 $0x0  }
0x16: {  	s3 =	sld [smem:$0x3FDB];
	s0 =	simm.s32 @p2 $0x1  }
0x17: {  	s4 =	simm.s32 $0x1BF5;
	[smem:$0x3FB9] =	sst s0  }
0x18: {  	s0 =	sld [smem:$0x3F9C];
	_ =	swait.ge [sflag:s4], $0x0  }
0x19: {  	s7 =	sld [smem:$0x3F9D]  }
0x1a: {  	s8 =	sadd.s32 $0xFFFFE003, lr  }
0x1b: {  	s9 =	sadd.s32 $0xFFFFFEF7, lr;
	s5 =	simm.s32 $0xFFFFFFFF;
	p2 =	slt.u32 s8, $0xFFFFF086  }
0x1c: {  	p1 =	slt.u32 s9, $0xF7A;
	s5 =	simm.s32 @!p2 $0x0  }
0x1d: {  	s5 =	simm.s32 @p1 $0x1;
	p0 =	seq.s32 s7, s2  }
0x1e: {  	s7 =	smul.u32 @!p0 $0xF7A, s2;
	p2 =	seq.s32 @!p0 s5, $0x0  }
0x1f: {  	s9 =	smul.u32 $0xF7A, s1;
	s8 =	simm.s32 @!p0 $0x1BF5;
	p2 =	por !p2, p0  }
0x20: {  	[sflag:s8] =	ssyncset.s32 @!p0 $0xFFFFF086;
	s6 =	sadd.s32 @!p0 s3, s7;
	s7 =	simm.s32 @!p0 $0x108  }
0x21: {  	s3 =	sadd.s32 s3, s9;
	s6 =	sadd.s32 @!p0 $0x88, s6;
	s7 =	simm.s32 @p2 $0x1082  }
0x22: {  	[simem:s7], [sflag:s8] =	dma.local @!p0 [hbm:s6], $0xF7A  }
0x23: {  	s9 =	sor.u32 $0xD0000000, s2;
	s6 =	simm.s32 $0x108;
	_ =	swait.ge @!p0 [sflag:s8], $0x0  }
0x24: {  	s3 =	sadd.s32 $0x88, s3;
	s6 =	simm.s32 @!p1 $0x1082;
	[sflag:s4] =	ssyncset.s32 $0xFFFFF086  }
0x25: {  	[simem:s6], [sflag:s4] =	dma.local [hbm:s3], $0xF7A  }
0x26: {  	[smem:$0x3F9D] =	sst s1;
	(tag) =	ssettag s2;
	_ =	strace s9  }
0x27: {  	s1 =	sld [smem:$0x3FAD]  }
0x28: {  	s2 =	sld [smem:$0x3FAE]  }
0x29: {  	s4 =	sld [smem:$0x3FB0]  }
0x2a: {  	p0 =	seq.s32 s5, $0x0;
	s5 =	sld [smem:$0x3FB1]  }
0x2b: {  	s6 =	sld [smem:$0x3FB2]  }
0x2c: {  	s7 =	sld [smem:$0x3FB3]  }
0x2d: {  	s3 =	simm.s32 $0x108;
	s8 =	sld [smem:$0x3FB4]  }
0x2e: {  	s3 =	simm.s32 @!p0 $0x1082;
	s9 =	sld [smem:$0x3FB5]  }
0x2f: {  	lr =	sadd.s32 s0, s3;
	s0 =	sld [smem:$0x3FAC]  }
0x30: {  	s3 =	sld [smem:$0x3FAF]  }
0x31: {  	[smem:$0x3FB8] =	sst s10  }
0x32: {  	s10 =	sld [smem:$0x3FB6];
	_ =	sdelay $0x3  }
0x33: {  	p0 =	seq.s32 s10, $0x1;
	s10 =	sld [smem:$0x3FB8];
	_ =	sdelay $0x3  }
0x34: {  	[smem:$0x3FB8] =	sst s10  }
0x35: {  	s10 =	sld [smem:$0x3FB7];
	_ =	sdelay $0x3  }
0x36: {  	p1 =	seq.s32 s10, $0x1;
	s10 =	sld [smem:$0x3FB8];
	_ =	sdelay $0x3  }
0x37: {  	[smem:$0x3FB8] =	sst s10  }
0x38: {  	s10 =	sld [smem:$0x3FB9]  }
0x39: {  	_ = 	snop;
	(pc) =	sbr.ind lr, $3  }
0x3a: {  	_ = 	snop  }
0x3b: {  	_ = 	snop  }
0x3c: {  	p2 =	seq.s32 s10, $0x1;
	s10 =	sld [smem:$0x3FB8]  }
0x3d: {  	_ =	shalt  }
0x3e: {  	_ =	shalt  }
0x3f: {  	_ =	shalt  }
0x40: {  	_ =	shalt  }
0x41: {  	_ =	shalt  }
0x42: {  	_ =	shalt  }
0x43: {  	_ =	shalt  }
0x44: {  	_ =	shalt  }
0x45: {  	_ =	shalt  }
0x46: {  	_ =	shalt  }
0x47: {  	_ =	shalt  }
0x48: {  	_ =	shalt  }
0x49: {  	_ =	shalt  }
0x4a: {  	_ =	shalt  }
0x4b: {  	_ =	shalt  }
0x4c: {  	_ =	shalt  }
0x4d: {  	_ =	shalt  }
0x4e: {  	_ =	shalt  }
0x4f: {  	_ =	shalt  }
0x50: {  	_ =	shalt  }
0x51: {  	_ =	shalt  }
0x52: {  	_ =	shalt  }
0x53: {  	_ =	shalt  }
0x54: {  	_ =	shalt  }
0x55: {  	_ =	shalt  }
0x56: {  	_ =	shalt  }
0x57: {  	_ =	shalt  }
0x58: {  	_ =	shalt  }
0x59: {  	_ =	shalt  }
0x5a: {  	_ =	shalt  }
0x5b: {  	_ =	shalt  }
0x5c: {  	_ =	shalt  }
0x5d: {  	_ =	shalt  }
0x5e: {  	_ =	shalt  }
0x5f: {  	_ =	shalt  }
0x60: {  	_ =	shalt  }
0x61: {  	_ =	shalt  }
0x62: {  	_ =	shalt  }
0x63: {  	_ =	shalt  }
0x64: {  	_ =	shalt  }
0x65: {  	_ =	shalt  }
0x66: {  	_ =	shalt  }
0x67: {  	_ =	shalt  }
0x68: {  	_ =	shalt  }
0x69: {  	_ =	shalt  }
0x6a: {  	_ =	shalt  }
0x6b: {  	_ =	shalt  }
0x6c: {  	_ =	shalt  }
0x6d: {  	_ =	shalt  }
0x6e: {  	_ =	shalt  }
0x6f: {  	_ =	shalt  }
0x70: {  	_ =	shalt  }
0x71: {  	_ =	shalt  }
0x72: {  	_ =	shalt  }
0x73: {  	_ =	shalt  }
0x74: {  	_ =	shalt  }
0x75: {  	_ =	shalt  }
0x76: {  	_ =	shalt  }
0x77: {  	_ =	shalt  }
0x78: {  	_ =	shalt  }
0x79: {  	_ =	shalt  }
0x7a: {  	_ =	shalt  }
0x7b: {  	_ =	shalt  }
0x7c: {  	_ =	shalt  }
0x7d: {  	_ =	shalt  }
0x7e: {  	_ =	shalt  }
0x7f: {  	_ =	shalt  }
0x80: {  	_ =	shalt  }
0x81: {  	_ =	shalt  }
0x82: {  	_ =	shalt  }
0x83: {  	_ =	shalt  }
0x84: {  	_ =	shalt  }
0x85: {  	_ =	shalt  }
0x86: {  	_ =	shalt  }
0x87: {  	_ =	shalt  }
.Lfunc_end0:
.L_simem_size_0:
called_computation_lowered:
.L_overlay_start_0:
0x88: {  	s2 =	sld [smem:$0x3FD9]  }
0x89: {  	s3 =	sld [smem:$0x3FFE];
	_ =	sdelay $0x1  }
0x8a: {  	s1 =	srdreg.scid  }
0x8b: {  	s0 =	sand.u32 $0x1, s1  }
0x8c: {  	s17 =	sshll.u32 s0, $0xA;
	s2 =	sadd.s32 s3, s2  }
0x8d: {  	s2 =	sadd.s32 s2, s17  }
0x8e: {  	[smem:$0x3FC4] =	sst s2  }
0x8f: {  	_ = 	snop  }
0x90: {  	s2 =	sld [smem:$0x3FC8]  }
0x91: {  	s18 =	sld [smem:$0x3FC7]  }
0x92: {  	s4 =	sld [smem:$0x3FC6]  }
0x93: {  	s5 =	sld [smem:$0x3FD0];
	(tm) =	ssettm $0x1  }
0x94: {  	s6 =	sld [smem:$0x3FFB];
	_ =	sdelay $0x3  }
0x95: {  	_ =	strace s6  }
0x96: {  	s6 =	sld [smem:$0x3FFC];
	_ =	sdelay $0x3  }
0x97: {  	_ =	strace s6  }
0x98: {  	s6 =	sld [smem:$0x3FFD];
	_ =	sdelay $0x3  }
0x99: {  	_ =	strace s6  }
0x9a: {  	_ =	strace $0x8FFFFFFF  }
0x9b: {  	s19 =	sld [smem:$0x3FDB];
	_ =	sdelay $0x1  }
0x9c: {  	s7 =	simm.s32 $_scs_section_size  }
0x9d: {  	s8 =	simm.s32 $_size__tile_overlayer_lowered;
	s9 =	simm.s32 $_tile_overlayer_lowered  }
0x9e: {  	s22 =	simm.s32 $0x1BFF;
	s21 =	sshll.u32 s9, $0x1;
	s6 =	sadd.s32 s7, s19  }
0x9f: {  	s10 =	simm.s32 $0x0;
	s20 =	sshll.u32 s8, $0x1;
	s8 =	sadd.s32 s21, s6  }
0xa0: {  	[timem:s10], [sflag:s22] =	dma.local [hbm:s8], s20  }
0xa1: {  	_ =	swait.ge [sflag:s22], s20  }
0xa2: {  	s7 =	ssub.s32 $0x0, s20;
	[sflag:s22] =	ssyncset.done $0x0  }
0xa3: {  	[sflag:s22] =	ssyncadd.s32 s7;
	_ =	sdelay $0x1  }
0xa4: {  	s23 =	simm.s32 $0x1B8B  }
0xa5: {  	_ =	swait.ge [sflag:s23], $0x1  }
0xa6: {  	[sflag:s23] =	ssyncset.done $0x0  }
0xa7: {  	s25 =	simm.s32 $0x1B8E;
	s24 =	sld [smem:$0x3FFE];
	[sflag:s23] =	ssyncadd.s32 $0xFFFFFFFF  }
0xa8: {  	s26 =	simm.s32 $execute0_lowered;
	[smem:$0x3FD2] =	sst s25  }
0xa9: {  	s8 =	sshll.u32 s26, $0x1;
	_ =	strace $0x80000046;
	[dreg:$0x1] =	wrdreg $0xFFFFFFFF  }
0xaa: {  	s28 =	simm.s32 $_size_execute0_lowered;
	s6 =	sadd.s32 s6, s8;
	[dreg:$0x0] =	wrdreg $0x0  }
0xab: {  	s8 =	sshll.u32 s28, $0x1;
	[dreg:$0x2] =	wrdreg s6  }
0xac: {  	[dreg:$0x3] =	wrdreg s8  }
0xad: {  	[dreg:$0x4] =	wrdreg $0xC0  }
0xae: {  	_ =	task [dreg:s10], $0x5FFFF  }
0xaf: {  	[dreg:$0x1] =	wrdreg $0xFFFFFFFF  }
0xb0: {  	[dreg:$0x0] =	wrdreg $0x60  }
0xb1: {  	[dreg:$0x2] =	wrdreg s5  }
0xb2: {  	[dreg:$0x3] =	wrdreg s2  }
0xb3: {  	[dreg:$0x4] =	wrdreg s4  }
0xb4: {  	[dreg:$0x5] =	wrdreg s18  }
0xb5: {  	[dreg:$0x6] =	wrdreg s24  }
0xb6: {  	[dreg:$0x7] =	wrdreg $0x9  }
0xb7: {  	_ =	task.clear_ibuf [dreg:s10], $0x8FFFF;
	_ =	strace $0x90000046  }
0xb8: {  	s29 =	simm.s32 $0x9;
	_ =	strace $0x80000048  }
0xb9: {  	_ =	swait.ge [sflag:s29], $0x1  }
0xba: {  	[sflag:s29] =	ssyncadd.s32 $0xFFFFFFFF  }
0xbb: {  	_ =	strace $0x90000048  }
0xbc: {  	_ =	sfence  }
0xbd: {  	s30 =	sld [smem:$0x0];
	_ =	sdelay $0x2  }
0xbe: {  	s31 =	sshll.u32 s1, $0xD;
	s1 =	sshrl.u32 s1, $0x2  }
0xbf: {  	s3 =	sand.u32 $0x4000, s31;
	s1 =	sadd.s32 s1, s30  }
0xc0: {  	s0 =	sor.u32 s3, s0;
	s1 =	sshll.u32 s1, $0x11  }
0xc1: {  	s0 =	sor.u32 s1, s0  }
0xc2: {  	s0 =	sadd.s32 $0x8F2B, s0  }
0xc3: {  	[sflag:s0] =	ssyncadd.remote.s32 $0x1  }
0xc4: {  	_ =	sfence.sel $0xFFFF  }
0xc5: {  	[dreg:$0x0] =	wrdreg $0xFFFFFFFF;
	(pc) =	sbr.abs _section_cstart, $3  }
0xc6: {  	[dreg:$0x1] =	wrdreg $0xFFFFFFFF  }
0xc7: {  	_ =	task.clear_ibuf [dreg:s10], $0x2FFFF;
	_ =	strace $0x9FFFFFFF  }
0xc8: {  	(tm) =	ssettm $0x7FFFFFFF  }
0xc9: {  	_ =	shalt  }
tec
execute0_lowered:
.L_overlay_start_1:
0x0: {  	(tag) =	ssettag $0x1  }
0x1: {  	s0 =	rddreg [dreg:$0x1]  }
0x2: {  	s2 =	rddreg [dreg:$0x2]  }
0x3: {  	s3 =	rddreg [dreg:$0x3]  }
0x4: {  	s6 =	rddreg [dreg:$0x4]  }
0x5: {  	s5 =	simm.s32 $0x0;
	s7 =	srdreg.scid;
	s1 =	stileid.u32  }
0x6: {  	s15 =	simm.s32 $0x2000;
	s16 =	simm.s32 $0x80;
	s17 =	simm.s32 $0x3080  }
0x7: {  	s18 =	simm.s32 $0x3;
	s19 =	simm.s32 $0x7A1400;
	s20 =	simm.s32 $0x3480  }
0x8: {  	s21 =	simm.s32 $0x6480;
	s22 =	simm.s32 $0x6880;
	s23 =	simm.s32 $0x1  }
0x9: {  	s24 =	simm.s32 $0x2;
	[smem:$0x7FF] =	sst s5;
	s8 =	sand.u32 $0x1, s7  }
0xa: {  	s25 =	sshll.u32 s1, $0x1;
	s10 =	sshrl.u32 s1, $0x1;
	s29 =	sshll.u32 s1, $0x6  }
0xb: {  	_ =	strace $0x80000047;
	s9 =	sor.u32 s8, s25;
	s11 =	ssub.s32 $0x2, s8  }
0xc: {  	s12 =	sshll.u32 s10, $0x7;
	s14 =	sshll.u32 s8, $0x5;
	s8 =	sshll.u32 s10, $0xA  }
0xd: {  	s25 =	simm.s32 $0x6C80;
	s7 =	sshll.u32 s9, $0x4;
	s26 =	sshrl.u32 s11, $0x1  }
0xe: {  	s9 =	sshll.u32 s9, $0x5;
	s30 =	sor.u32 s14, s29;
	s14 =	simm.s32 $0x400  }
0xf: {  	s13 =	sadd.s32 s7, s6;
	s6 =	sadd.s32 s0, s12;
	s28 =	ssub.s32 s11, s26  }
0x10: {  	s9 =	sand.u32 $0x60, s9;
	s31 =	sand.u32 $0x60, s30;
	s26 =	simm.s32 $0x0  }
0x11: {  	s7 =	sadd.s32 $0x3000, s6;
	s9 =	sor.u32 s9, s12;
	s10 =	sadd.s32 $0x600, s13  }
0x12: {  	v0 =	vimm.f32 $0.0e+00;
	s11 =	smax.u32 s28, $0x1;
	s12 =	sor.u32 $0x180, s31;
	s13 =	sor.u32 $0x3580, s31  }
.LBB2_1:
0x13: {  	[tilespmem:s16], [sflag:$0x1] =	stream.strided.gather [hbm4b:s6+s14], $0x3000, s15, s14, $0x38;
	[tilespmem:$0x6D00] =	vst v63  }
0x14: {  	_ = 	snop  }
0x15: {  	[tilespmem:s17], [sflag:$0x1] =	stream.linear.gather [hbm4b:s7+s5], $0x200, $0x38;
	[tilespmem:$0x6D00] =	vst v63  }
0x16: {  	s0 =	rddreg [dreg:$0x0]  }
0x17: {  	[tilespmem:s5], [sflag:$0x3] =	stream.linear.gather [hbm4b:s0+s5], $0x80, $0x38;
	[tilespmem:$0x6D00] =	vst v63  }
0x18: {  	_ =	swait.ge [sflag:s18], $0x80  }
0x19: {  	[sflag:s18] =	ssyncset.done $0x0  }
0x1a: {  	[sflag:s18] =	ssyncadd.s32 $0xFFFFFF80  }
0x1b: {  	v1 =	vld [tilespmem:$0x0];
	_ =	sdelay $0x4  }
0x1c: {  	(v2sf) =	vpush v1, $0x0;
	_ =	sdelay $0xe  }
0x1d: {  	s1 =	spop (v2sf)  }
0x1e: {  	s0 =	sshll.u32 s1, $0xD  }
0x1f: {  	s0 =	sor.u32 s8, s0  }
0x20: {  	s0 =	sshrl.u32 s0, $0x3  }
0x21: {  	s0 =	sadd.s32 s2, s0  }
0x22: {  	[tilespmem:s20], [sflag:$0x2] =	stream.strided.gather [hbm4b:s0+s14], $0x3000, s19, s14, $0x38;
	[tilespmem:$0x6D00] =	vst v63  }
0x23: {  	s0 =	sadd.s32 $0xB71E00, s0  }
0x24: {  	[tilespmem:s21], [sflag:$0x2] =	stream.linear.gather [hbm4b:s0+s5], $0x200, $0x38;
	[tilespmem:$0x6D00] =	vst v63  }
0x25: {  	_ = 	snop  }
0x26: {  	[tilespmem:s22], [sflag:$0x3] =	stream.linear.gather [hbm4b:s3+s5], $0x400, $0x38;
	[tilespmem:$0x6D00] =	vst v63  }
0x27: {  	_ =	swait.ge [sflag:s18], $0x400  }
0x28: {  	[sflag:s18] =	ssyncset.done $0x0  }
0x29: {  	[sflag:s18] =	ssyncadd.s32 $0xFFFFFC00  }
0x2a: {  	v2 =	vld [tilespmem:s9+$0x6880]  }
0x2b: {  	v4 =	vld [tilespmem:s9+$0x6890];
	_ =	swait.ge [sflag:s23], $0x3200  }
0x2c: {  	[sflag:s23] =	ssyncset.done $0x0  }
0x2d: {  	[sflag:s23] =	ssyncadd.s32 $0xFFFFCE00  }
0x2e: {  	v7 =	vld [tilespmem:s12+$0x80];
	_ =	sdelay $0x3  }
0x2f: {  	v8 =	vld [tilespmem:s12+$0x90]  }
0x30: {  	v1 =	vmul.f32 $1.442695020e+00, v7;
	_ =	sdelay $0x1  }
0x31: {  	(erf) = vpow2.f32 v1;
	_ =	sdelay $0x1  }
0x32: {  	v9 =	vld [tilespmem:s12+$0xFFFFFF00];
	v1 =	vmul.f32 $1.442695020e+00, v8  }
0x33: {  	v10 =	vld [tilespmem:s12+$0xFFFFFF10]  }
0x34: {  	v12 =	vld [tilespmem:s12+$0xFFFFFF90];
	(erf) = vpow2.f32 v1  }
0x35: {  	v11 =	vld [tilespmem:s12+$0xFFFFFF80];
	_ =	sdelay $0x1  }
0x36: {  	v3 =	vmul.f32 $1.442695020e+00, v9  }
0x37: {  	v13 =	vld [tilespmem:s12+$0x0];
	v6 =	vmul.f32 $1.442695020e+00, v10  }
0x38: {  	v1 =	vpop (erf);
	(erf) = vpow2.f32 v3;
	v3 =	vmul.f32 $1.442695020e+00, v12  }
0x39: {  	v15 =	vmul.f32 $1.442695020e+00, v11  }
0x3a: {  	(erf) = vpow2.f32 v6  }
0x3b: {  	s28 =	sadd.s32 $0x200, s12;
	v14 =	vld [tilespmem:s12+$0x10];
	[tilespmem:s12+$0x80] =	vst v1;
	(erf) = vpow2.f32 v15  }
0x3c: {  	v6 =	vmul.f32 $1.442695020e+00, v13;
	v5 =	vld [tilespmem:s28+$0x80];
	(erf) = vpow2.f32 v3;
	v3 =	vpop (erf)  }
0x3d: {  	[tilespmem:s12+$0x90] =	vst v3  }
0x3e: {  	vm0 =	veq.s32 v2, s5;
	(erf) = vpow2.f32 v6;
	v6 =	vld [tilespmem:s28+$0x90]  }
0x3f: {  	s4 =	simm.s32 $0x1;
	vm1 =	veq.s32 v4, s5;
	v9 =	vsel vm0, v9, v0  }
0x40: {  	vm0 =	veq.s32 v2, s4;
	v10 =	vsel vm1, v10, v0;
	v15 =	vmul.f32 $1.442695020e+00, v14  }
0x41: {  	s1 =	simm.s32 $0x2;
	v9 =	vsel vm0, v11, v9;
	vm0 =	veq.s32 v4, s4;
	v16 =	vmul.f32 $1.442695020e+00, v5  }
0x42: {  	vm1 =	veq.s32 v4, s1;
	v10 =	vsel vm0, v12, v10;
	(erf) = vpow2.f32 v15  }
0x43: {  	v10 =	vsel vm1, v14, v10;
	(erf) = vpow2.f32 v16;
	v14 =	vmul.f32 $1.442695020e+00, v6;
	_ =	sdelay $0x1  }
0x44: {  	v11 =	vpop (erf);
	(erf) = vpow2.f32 v14  }
0x45: {  	[tilespmem:s12+$0xFFFFFF00] =	vst v11;
	v12 =	vpop (erf)  }
0x46: {  	s4 =	simm.s32 $0x3;
	vm0 =	veq.s32 v2, s1;
	v11 =	vadd.f32 v11, v0;
	v15 =	vld [tilespmem:s28+$0xFFFFFF00];
	[tilespmem:s12+$0xFFFFFF10] =	vst v12  }
0x47: {  	v9 =	vsel vm0, v13, v9;
	vm0 =	veq.s32 v2, s4;
	v16 =	vpop (erf);
	v12 =	vadd.f32 v12, v0;
	v13 =	vld [tilespmem:s28+$0xFFFFFF10]  }
0x48: {  	vm1 =	veq.s32 v4, s4;
	v7 =	vsel vm0, v7, v9;
	v17 =	vpop (erf);
	[tilespmem:s12+$0xFFFFFF80] =	vst v16;
	v14 =	vadd.f32 v16, v11  }
0x49: {  	s29 =	simm.s32 $0x4;
	v16 =	vpop (erf);
	v11 =	vsel vm1, v8, v10;
	v10 =	vld [tilespmem:s28+$0xFFFFFF80];
	v18 =	vadd.f32 v17, v12;
	[tilespmem:s12+$0xFFFFFF90] =	vst v17  }
0x4a: {  	vm0 =	veq.s32 v4, s29;
	vm1 =	veq.s32 v2, s29;
	[tilespmem:s12+$0x0] =	vst v16;
	v17 =	vpop (erf);
	v12 =	vld [tilespmem:s28+$0xFFFFFF90];
	v8 =	vadd.f32 v16, v14  }
0x4b: {  	s31 =	simm.s32 $0x8;
	s30 =	smov.u32 s28;
	v9 =	vld [tilespmem:s28+$0x0];
	[tilespmem:s12+$0x10] =	vst v17;
	v14 =	vsel vm1, v15, v7;
	v16 =	vmul.f32 $1.442695020e+00, v15;
	v15 =	vadd.f32 v17, v18;
	v7 =	vpop (erf)  }
.LBB2_2:
0x4c: {  	v17 =	vmul.f32 $1.442695020e+00, v13;
	s4 =	sadd.s32 $0x1, s29  }
0x4d: {  	v11 =	vsel vm0, v13, v11;
	v13 =	vld [tilespmem:s28+$0x10];
	[tilespmem:s28+$0x80] =	vst v7;
	s30 =	sadd.s32 $0x200, s30;
	v18 =	vpop (erf);
	v8 =	vadd.f32 v1, v8;
	v1 =	vmov v7;
	s1 =	smov.u32 s31;
	s0 =	sadd.s32 $0x4, s31  }
0x4e: {  	p0 =	slt.u32 s31, $0x60;
	v7 =	vld [tilespmem:s30+$0x80];
	v19 =	vmul.f32 $1.442695020e+00, v10;
	vm0 =	veq.s32 v2, s4;
	[tilespmem:s28+$0x90] =	vst v18;
	(erf) = vpow2.f32 v16  }
0x4f: {  	v15 =	vadd.f32 v3, v15;
	v3 =	vmovc v18;
	v16 =	vld [tilespmem:s30+$0x90];
	v20 =	vmul.f32 $1.442695020e+00, v12;
	(erf) = vpow2.f32 v17  }
0x50: {  	v10 =	vsel vm0, v10, v14;
	vm0 =	veq.s32 v4, s4;
	s4 =	sadd.s32 $0x2, s29;
	(erf) = vpow2.f32 v19  }
0x51: {  	v11 =	vsel vm0, v12, v11;
	v12 =	vmul.f32 $1.442695020e+00, v9;
	(erf) = vpow2.f32 v20  }
0x52: {  	vm0 =	veq.s32 v2, s4;
	vm1 =	veq.s32 v4, s4;
	s4 =	sadd.s32 $0x3, s29;
	s29 =	smov.u32 s1;
	v14 =	vmul.f32 $1.442695020e+00, v13  }
0x53: {  	v11 =	vsel vm1, v13, v11;
	v17 =	vmul.f32 $1.442695020e+00, v7;
	(erf) = vpow2.f32 v12  }
0x54: {  	vm1 =	veq.s32 v4, s4;
	v12 =	vmul.f32 $1.442695020e+00, v16;
	(erf) = vpow2.f32 v14  }
0x55: {  	v9 =	vsel vm0, v9, v10;
	vm0 =	veq.s32 v2, s4;
	(erf) = vpow2.f32 v17  }
0x56: {  	v9 =	vsel vm0, v5, v9;
	v11 =	vsel vm1, v6, v11;
	v5 =	vmovc v7;
	v6 =	vmovc v16;
	(erf) = vpow2.f32 v12  }
0x57: {  	v7 =	vpop (erf)  }
0x58: {  	[tilespmem:s28+$0xFFFFFF00] =	vst v7;
	v7 =	vadd.f32 v7, v8;
	v8 =	vpop (erf)  }
0x59: {  	v14 =	vld [tilespmem:s30+$0xFFFFFF00];
	[tilespmem:s28+$0xFFFFFF10] =	vst v8;
	v16 =	vadd.f32 v8, v15;
	v10 =	vpop (erf)  }
.Ltmp0:
0x5a: {  	v13 =	vld [tilespmem:s30+$0xFFFFFF10];
	[tilespmem:s28+$0xFFFFFF80] =	vst v10;
	v7 =	vadd.f32 v10, v7;
	v12 =	vpop (erf);
	(pc) =	sbr.rel @p0 .LBB2_2-.Ltmp0, $4  }
0x5b: {  	v10 =	vld [tilespmem:s30+$0xFFFFFF80];
	[tilespmem:s28+$0xFFFFFF90] =	vst v12;
	v15 =	vadd.f32 v12, v16  }
0x5c: {  	v12 =	vld [tilespmem:s30+$0xFFFFFF90];
	v8 =	vpop (erf)  }
0x5d: {  	vm0 =	veq.s32 v4, s29;
	vm1 =	veq.s32 v2, s29;
	[tilespmem:s28+$0x0] =	vst v8;
	v8 =	vadd.f32 v8, v7;
	v17 =	vpop (erf)  }
0x5e: {  	s31 =	smov.u32 s0;
	v16 =	vmul.f32 $1.442695020e+00, v14;
	v14 =	vsel vm1, v14, v9;
	v9 =	vld [tilespmem:s30+$0x0];
	v7 =	vpop (erf);
	[tilespmem:s28+$0x10] =	vst v17;
	v15 =	vadd.f32 v17, v15;
	s28 =	smov.u32 s30  }
0x5f: {  	v17 =	vld [tilespmem:s28+$0x10]  }
0x60: {  	v18 =	vmul.f32 $1.442695020e+00, v13  }
0x61: {  	v19 =	vmul.f32 $1.442695020e+00, v10;
	(erf) = vpow2.f32 v16  }
0x62: {  	v16 =	vmul.f32 $1.442695020e+00, v12;
	(erf) = vpow2.f32 v18  }
0x63: {  	(erf) = vpow2.f32 v19;
	v18 =	vmul.f32 $1.442695020e+00, v9  }
0x64: {  	(erf) = vpow2.f32 v16;
	v16 =	vmul.f32 $1.442695020e+00, v17  }
0x65: {  	(erf) = vpow2.f32 v18  }
0x66: {  	(erf) = vpow2.f32 v16;
	_ =	sdelay $0x2  }
0x67: {  	v1 =	vadd.f32 v1, v8;
	v16 =	vpop (erf)  }
0x68: {  	v3 =	vadd.f32 v3, v15;
	v8 =	vpop (erf)  }
0x69: {  	v1 =	vadd.f32 v8, v1;
	v15 =	vpop (erf)  }
0x6a: {  	v3 =	vadd.f32 v15, v3;
	v18 =	vpop (erf)  }
0x6b: {  	v1 =	vadd.f32 v18, v1;
	v19 =	vpop (erf)  }
0x6c: {  	v3 =	vadd.f32 v19, v3;
	v20 =	vpop (erf)  }
0x6d: {  	v1 =	vadd.f32 v20, v1;
	v21 =	vpop (erf)  }
0x6e: {  	v22 =	vadd.f32 v21, v3  }
0x6f: {  	v3 =	vadd.f32 v7, v1  }
0x70: {  	v1 =	vadd.f32 v16, v22  }
0x71: {  	(erf) = vrcp.f32 v3  }
0x72: {  	(erf) = vrcp.f32 v1;
	_ =	sdelay $0x1  }
0x73: {  	[tilespmem:s28+$0x80] =	vst v7  }
0x74: {  	[tilespmem:s28+$0x90] =	vst v16  }
0x75: {  	[tilespmem:s28+$0xFFFFFF00] =	vst v8  }
0x76: {  	[tilespmem:s28+$0xFFFFFF10] =	vst v15  }
0x77: {  	[tilespmem:s28+$0xFFFFFF80] =	vst v18  }
0x78: {  	[tilespmem:s28+$0xFFFFFF90] =	vst v19  }
0x79: {  	[tilespmem:s28+$0x0] =	vst v20;
	v7 =	vpop (erf)  }
0x7a: {  	[tilespmem:s28+$0x10] =	vst v21;
	v8 =	vpop (erf)  }
0x7b: {  	_ =	swait.ge [sflag:s24], $0x3200  }
0x7c: {  	[sflag:s24] =	ssyncset.done $0x0  }
0x7d: {  	[sflag:s24] =	ssyncadd.s32 $0xFFFFCE00  }
0x7e: {  	s0 =	sadd.s32 $0x1, s29;
	v15 =	vld [tilespmem:s12+$0xFFFFFF00]  }
0x7f: {  	v11 =	vsel vm0, v13, v11;
	s31 =	sadd.s32 $0x2, s29;
	vm1 =	veq.s32 v4, s0;
	v16 =	vld [tilespmem:s12+$0x90]  }
0x80: {  	s1 =	sadd.s32 $0x3, s29;
	vm11 =	veq.s32 v2, s0;
	vm12 =	veq.s32 v4, s31;
	v11 =	vsel vm1, v12, v11;
	v13 =	vld [tilespmem:s12+$0x80]  }
0x81: {  	vm14 =	veq.s32 v4, s1;
	v10 =	vsel vm11, v10, v14;
	v11 =	vsel vm12, v17, v11;
	v14 =	vld [tilespmem:s12+$0x0]  }
0x82: {  	vm13 =	veq.s32 v2, s31;
	vm15 =	veq.s32 v2, s1;
	v2 =	vsel vm14, v6, v11;
	v11 =	vld [tilespmem:s12+$0xFFFFFF80]  }
0x83: {  	v18 =	vld [tilespmem:s12+$0x10]  }
0x84: {  	v4 =	vsel vm13, v9, v10;
	v12 =	vld [tilespmem:s13+$0xFFFFFF00]  }
0x85: {  	v4 =	vsel vm15, v5, v4;
	v10 =	vld [tilespmem:s12+$0xFFFFFF10];
	v9 =	vmul.f32 v15, v7  }
0x86: {  	v17 =	vimm.f32 $0.0e+00;
	v5 =	vld [tilespmem:s12+$0xFFFFFF90];
	v15 =	vmul.f32 v16, v8;
	v13 =	vmul.f32 v13, v7  }
0x87: {  	v14 =	vmul.f32 v14, v7;
	v11 =	vmul.f32 v11, v7;
	v6 =	vmax.f32 v9, $9.999999740e-05  }
0x88: {  	v9 =	vmul.f32 v18, v8;
	v13 =	vmax.f32 v13, $9.999999740e-05;
	v6 =	vmin.f32 v6, $9.998999830e-01  }
0x89: {  	v20 =	vld [tilespmem:s13+$0xFFFFFF10];
	v14 =	vmax.f32 v14, $9.999999740e-05;
	v16 =	vmul.f32 v6, v12;
	v18 =	vmul.f32 v6, v6  }
0x8a: {  	v19 =	vmax.f32 v9, $9.999999740e-05;
	v12 =	vadd.f32 v6, v17;
	v6 =	vmul.f32 v10, v8  }
0x8b: {  	v21 =	vld [tilespmem:s13+$0xFFFFFF90];
	v9 =	vadd.f32 v16, v17;
	v16 =	vadd.f32 v18, v17;
	v18 =	vmul.f32 v5, v8  }
0x8c: {  	v10 =	vmax.f32 v15, $9.999999740e-05;
	v5 =	vmin.f32 v13, $9.998999830e-01;
	v6 =	vmax.f32 v6, $9.999999740e-05  }
0x8d: {  	v13 =	vmin.f32 v6, $9.998999830e-01;
	v6 =	vmax.f32 v11, $9.999999740e-05;
	v11 =	vmax.f32 v18, $9.999999740e-05  }
0x8e: {  	v22 =	vld [tilespmem:s13+$0x0];
	v15 =	vmul.f32 v13, v20;
	v18 =	vmin.f32 v6, $9.998999830e-01;
	v6 =	vmin.f32 v19, $9.998999830e-01  }
0x8f: {  	v19 =	vadd.f32 v13, v17;
	v20 =	vld [tilespmem:s13+$0xFFFFFF80];
	v24 =	vmin.f32 v11, $9.998999830e-01;
	v23 =	vmul.f32 v18, v18  }
0x90: {  	v13 =	vmul.f32 v13, v13;
	v11 =	vld [tilespmem:s13+$0x90];
	v25 =	vadd.f32 v15, v17;
	v21 =	vmul.f32 v24, v21  }
0x91: {  	v26 =	vadd.f32 v24, v19;
	v19 =	vmin.f32 v14, $9.998999830e-01;
	v15 =	vld [tilespmem:s13+$0x10];
	v23 =	vadd.f32 v23, v16  }
0x92: {  	v16 =	vadd.f32 v13, v17;
	v17 =	vmul.f32 v24, v24;
	v24 =	vmul.f32 v19, v19  }
0x93: {  	s29 =	sadd.s32 $0x200, s12;
	s30 =	smov.u32 s13;
	s28 =	simm.s32 $0x0;
	v13 =	vadd.f32 v21, v25;
	v21 =	vmul.f32 v19, v22;
	v14 =	vadd.f32 v6, v26;
	v22 =	vld [tilespmem:s13+$0x80]  }
.LBB2_4:
0x94: {  	v25 =	vld [tilespmem:s29+$0xFFFFFF00];
	s28 =	sadd.s32 $0x4, s28;
	v12 =	vadd.f32 v18, v12;
	v18 =	vmul.f32 v18, v20;
	v10 =	vmin.f32 v10, $9.998999830e-01;
	s30 =	sadd.s32 $0x200, s30  }
0x95: {  	v20 =	vld [tilespmem:s29+$0x90];
	p0 =	slt.u32 s28, $0x60;
	v23 =	vadd.f32 v24, v23;
	v24 =	vmul.f32 v5, v5;
	v26 =	vmul.f32 v10, v10  }
0x96: {  	v11 =	vmul.f32 v10, v11;
	v27 =	vld [tilespmem:s29+$0x10];
	v9 =	vadd.f32 v18, v9;
	v15 =	vmul.f32 v6, v15  }
0x97: {  	v16 =	vadd.f32 v17, v16;
	v6 =	vmul.f32 v6, v6;
	v18 =	vld [tilespmem:s29+$0x80];
	v17 =	vadd.f32 v24, v23  }
0x98: {  	v23 =	vld [tilespmem:s30+$0xFFFFFF00];
	v9 =	vadd.f32 v21, v9;
	v13 =	vadd.f32 v15, v13;
	v15 =	vmul.f32 v5, v22  }
0x99: {  	v12 =	vadd.f32 v19, v12;
	v6 =	vadd.f32 v6, v16;
	v21 =	vmul.f32 v25, v7;
	v22 =	vld [tilespmem:s29+$0x0]  }
0x9a: {  	v16 =	vld [tilespmem:s29+$0xFFFFFF10];
	v19 =	vmul.f32 v20, v8;
	v9 =	vadd.f32 v15, v9;
	v11 =	vadd.f32 v11, v13  }
0x9b: {  	v14 =	vadd.f32 v10, v14;
	v13 =	vmax.f32 v21, $9.999999740e-05;
	v15 =	vld [tilespmem:s29+$0xFFFFFF90];
	v20 =	vmul.f32 v27, v8  }
0x9c: {  	v5 =	vadd.f32 v5, v12;
	v10 =	vmin.f32 v13, $9.998999830e-01;
	v13 =	vld [tilespmem:s29+$0xFFFFFF80];
	v18 =	vmul.f32 v18, v7  }
0x9d: {  	v24 =	vadd.f32 v26, v6;
	v21 =	vmul.f32 v10, v23;
	v20 =	vmax.f32 v20, $9.999999740e-05  }
0x9e: {  	v6 =	vmul.f32 v10, v10;
	v22 =	vmul.f32 v22, v7;
	v18 =	vmax.f32 v18, $9.999999740e-05  }
0x9f: {  	v12 =	vadd.f32 v10, v5;
	v23 =	vld [tilespmem:s30+$0xFFFFFF10];
	v9 =	vadd.f32 v21, v9  }
0xa0: {  	v10 =	vmul.f32 v16, v8;
	v16 =	vadd.f32 v6, v17;
	v17 =	vmax.f32 v22, $9.999999740e-05  }
0xa1: {  	v5 =	vmin.f32 v18, $9.998999830e-01;
	v6 =	vmul.f32 v13, v7;
	v13 =	vmul.f32 v15, v8;
	v15 =	vld [tilespmem:s30+$0xFFFFFF90]  }
0xa2: {  	v18 =	vmax.f32 v10, $9.999999740e-05;
	v10 =	vmax.f32 v19, $9.999999740e-05  }
0xa3: {  	v19 =	vmin.f32 v18, $9.998999830e-01;
	v6 =	vmax.f32 v6, $9.999999740e-05;
	v13 =	vmax.f32 v13, $9.999999740e-05;
	v21 =	vld [tilespmem:s30+$0x0]  }
0xa4: {  	v22 =	vmul.f32 v19, v23;
	v18 =	vmin.f32 v6, $9.998999830e-01;
	v6 =	vmin.f32 v20, $9.998999830e-01  }
.Ltmp1:
0xa5: {  	v14 =	vadd.f32 v19, v14;
	v25 =	vmin.f32 v13, $9.998999830e-01;
	v20 =	vld [tilespmem:s30+$0xFFFFFF80];
	v13 =	vmul.f32 v18, v18;
	(pc) =	sbr.rel @p0 .LBB2_4-.Ltmp1, $4  }
0xa6: {  	v26 =	vmul.f32 v19, v19;
	v22 =	vadd.f32 v22, v11;
	v27 =	vmul.f32 v25, v15;
	v11 =	vld [tilespmem:s30+$0x90]  }
0xa7: {  	v19 =	vmin.f32 v17, $9.998999830e-01;
	v14 =	vadd.f32 v25, v14;
	v23 =	vadd.f32 v13, v16;
	v15 =	vld [tilespmem:s30+$0x10]  }
0xa8: {  	v16 =	vadd.f32 v26, v24;
	v13 =	vadd.f32 v27, v22;
	v21 =	vmul.f32 v19, v21  }
0xa9: {  	s29 =	sadd.s32 $0x200, s29;
	v17 =	vmul.f32 v25, v25;
	v14 =	vadd.f32 v6, v14;
	v24 =	vmul.f32 v19, v19;
	v22 =	vld [tilespmem:s30+$0x80]  }
0xaa: {  	v7 =	vand.u32 $0x7FFFFF, v3  }
0xab: {  	v7 =	vor.u32 $0x3F800000, v7  }
0xac: {  	v8 =	vadd.f32 v18, v12;
	v60 =	vmul.f32 $5.000000000e-01, v7  }
0xad: {  	vm0 =	vgt.f32 v7, $1.414213540e+00  }
0xae: {  	v8 =	vadd.f32 v19, v8;
	v7 =	vsel vm0, v60, v7  }
0xaf: {  	v12 =	vadd.f32 $1.000000000e+00, v7  }
0xb0: {  	v8 =	vadd.f32 v5, v8  }
0xb1: {  	(erf) = vrcp.f32 v12  }
0xb2: {  	(erf) = vrcp.f32 v8;
	_ =	sdelay $0x1  }
0xb3: {  	v61 =	vmul.f32 v18, v20;
	_ =	sdelay $0x1  }
0xb4: {  	v63 =	vmul.f32 v5, v5;
	v62 =	vadd.f32 v24, v23;
	v8 =	vadd.f32 v61, v9;
	_ =	sdelay $0x1  }
0xb5: {  	v20 =	vadd.f32 v63, v62;
	v23 =	vmul.f32 v5, v22;
	v8 =	vadd.f32 v21, v8;
	_ =	sdelay $0x1  }
0xb6: {  	v9 =	vmul.f32 $3.000000120e-01, v20;
	v5 =	vadd.f32 v23, v8;
	v24 =	vpop (erf)  }
0xb7: {  	v25 =	vpop (erf)  }
0xb8: {  	v5 =	vmul.f32 $6.999999880e-01, v5;
	v9 =	vmul.f32 v9, v25;
	_ =	sdelay $0x1  }
0xb9: {  	v5 =	vadd.f32 v9, v5;
	_ =	sdelay $0x1  }
0xba: {  	v5 =	vsub.f32 $1.000000000e+00, v5;
	_ =	sdelay $0x1  }
0xbb: {  	v26 =	vand.u32 $0x7FFFFF, v5  }
0xbc: {  	v27 =	vand.u32 $0x7FFFFF, v1;
	v9 =	vor.u32 $0x3F800000, v26  }
0xbd: {  	v12 =	vor.u32 $0x3F800000, v27;
	v28 =	vmul.f32 $5.000000000e-01, v9  }
0xbe: {  	v29 =	vmul.f32 $5.000000000e-01, v12;
	vm3 =	vgt.f32 v9, $1.414213540e+00  }
0xbf: {  	vm1 =	vgt.f32 v12, $1.414213540e+00;
	v9 =	vsel vm3, v28, v9  }
0xc0: {  	v12 =	vsel vm1, v29, v12;
	v18 =	vadd.f32 $1.000000000e+00, v9  }
0xc1: {  	v10 =	vmin.f32 v10, $9.998999830e-01;
	v19 =	vadd.f32 $1.000000000e+00, v12  }
0xc2: {  	v14 =	vadd.f32 v10, v14;
	(erf) = vrcp.f32 v18  }
0xc3: {  	(erf) = vrcp.f32 v19  }
0xc4: {  	(erf) = vrcp.f32 v14;
	_ =	sdelay $0x1  }
0xc5: {  	v31 =	vmul.f32 v6, v6;
	v30 =	vadd.f32 v17, v16;
	_ =	sdelay $0x1  }
0xc6: {  	v32 =	vmul.f32 v10, v10;
	v33 =	vmul.f32 v6, v15;
	v14 =	vadd.f32 v31, v30;
	_ =	sdelay $0x1  }
0xc7: {  	v10 =	vmul.f32 v10, v11;
	v6 =	vadd.f32 v33, v13;
	v34 =	vadd.f32 v32, v14  }
0xc8: {  	v35 =	vpop (erf)  }
0xc9: {  	v6 =	vadd.f32 v10, v6;
	v37 =	vmul.f32 $3.000000120e-01, v34;
	v36 =	vpop (erf)  }
0xca: {  	v38 =	vpop (erf)  }
0xcb: {  	v6 =	vmul.f32 $6.999999880e-01, v6;
	v10 =	vmul.f32 v37, v38;
	_ =	sdelay $0x1  }
0xcc: {  	v6 =	vadd.f32 v10, v6;
	_ =	sdelay $0x1  }
0xcd: {  	v6 =	vsub.f32 $1.000000000e+00, v6;
	_ =	sdelay $0x1  }
0xce: {  	v39 =	vand.u32 $0x7FFFFF, v6  }
0xcf: {  	v10 =	vor.u32 $0x3F800000, v39  }
0xd0: {  	v40 =	vmul.f32 $5.000000000e-01, v10  }
0xd1: {  	v7 =	vadd.f32 $-1.000000000e+00, v7;
	vm2 =	vgt.f32 v10, $1.414213540e+00  }
0xd2: {  	v8 =	vsel vm2, v40, v10  }
0xd3: {  	v7 =	vmul.f32 v24, v7;
	v10 =	vadd.f32 $1.000000000e+00, v8;
	_ =	sdelay $0x1  }
0xd4: {  	v41 =	vmul.f32 v7, v7;
	(erf) = vrcp.f32 v10  }
0xd5: {  	v9 =	vadd.f32 $-1.000000000e+00, v9  }
0xd6: {  	v42 =	vmul.f32 $1.111111120e-01, v41  }
0xd7: {  	v9 =	vmul.f32 v35, v9  }
0xd8: {  	v43 =	vadd.f32 $1.428571490e-01, v42  }
0xd9: {  	v12 =	vadd.f32 $-1.000000000e+00, v12;
	v13 =	vmul.f32 v9, v9  }
0xda: {  	v3 =	vshrl.u32 v3, $0x17;
	v1 =	vshrl.u32 v1, $0x17;
	v10 =	vmul.f32 v43, v41  }
0xdb: {  	v3 =	vadd.s32 $0xFFFFFF81, v3;
	v12 =	vmul.f32 v36, v12;
	v44 =	vmul.f32 $1.111111120e-01, v13  }
0xdc: {  	v1 =	vadd.s32 $0xFFFFFF81, v1;
	v8 =	vadd.f32 $-1.000000000e+00, v8;
	v10 =	vadd.f32 $2.000000030e-01, v10  }
0xdd: {  	v3 =	vcvt.s32.f32 v3;
	v46 =	vmul.f32 v12, v12;
	v15 =	vadd.f32 $1.428571490e-01, v44;
	v47 =	vpop (erf)  }
0xde: {  	v48 =	vsel vm0, $0x3F800000, v0;
	v10 =	vmul.f32 v10, v41;
	v8 =	vmul.f32 v47, v8  }
0xdf: {  	v3 =	vadd.f32 v3, v48;
	v50 =	vmul.f32 $1.111111120e-01, v46;
	v45 =	vmul.f32 v15, v13  }
0xe0: {  	v1 =	vcvt.s32.f32 v1;
	v10 =	vadd.f32 $3.333333430e-01, v10;
	v16 =	vmul.f32 v8, v8  }
0xe1: {  	v3 =	vmul.f32 $6.931471820e-01, v3;
	v14 =	vadd.f32 $1.428571490e-01, v50;
	v49 =	vadd.f32 $2.000000030e-01, v45  }
0xe2: {  	v10 =	vmul.f32 v10, v41;
	v52 =	vmul.f32 $1.111111120e-01, v16  }
0xe3: {  	v7 =	vadd.f32 v7, v7;
	v54 =	vmul.f32 v14, v46;
	v11 =	vmul.f32 v49, v13  }
0xe4: {  	v57 =	vsel vm1, $0x3F800000, v0;
	v10 =	vadd.f32 $1.000000000e+00, v10;
	v55 =	vadd.f32 $1.428571490e-01, v52  }
0xe5: {  	v5 =	vshrl.u32 v5, $0x17;
	v53 =	vadd.f32 $3.333333430e-01, v11;
	v11 =	vadd.f32 $2.000000030e-01, v54  }
0xe6: {  	v5 =	vadd.s32 $0xFFFFFF81, v5;
	v7 =	vmul.f32 v10, v7;
	v56 =	vmul.f32 v55, v16  }
0xe7: {  	v5 =	vcvt.s32.f32 v5;
	v6 =	vshrl.u32 v6, $0x17;
	v11 =	vmul.f32 v11, v46  }
0xe8: {  	v10 =	vmul.f32 v53, v13;
	v3 =	vadd.f32 v7, v3;
	v7 =	vadd.f32 $2.000000030e-01, v56  }
0xe9: {  	v51 =	vsel vm3, $0x3F800000, v0;
	v9 =	vadd.f32 v9, v9;
	v6 =	vadd.s32 $0xFFFFFF81, v6  }
0xea: {  	v59 =	vadd.f32 $3.333333430e-01, v11;
	v10 =	vadd.f32 $1.000000000e+00, v10;
	v7 =	vmul.f32 v7, v16  }
0xeb: {  	v1 =	vadd.f32 v1, v57;
	v5 =	vadd.f32 v5, v51;
	v6 =	vcvt.s32.f32 v6  }
0xec: {  	v58 =	vmul.f32 v10, v9;
	v9 =	vmul.f32 v59, v46;
	v7 =	vadd.f32 $3.333333430e-01, v7  }
0xed: {  	v5 =	vmul.f32 $6.931471820e-01, v5;
	v60 =	vadd.f32 v12, v12;
	v61 =	vsel vm2, $0x3F800000, v0  }
0xee: {  	v6 =	vadd.f32 v6, v61;
	v9 =	vadd.f32 $1.000000000e+00, v9;
	v7 =	vmul.f32 v7, v16  }
0xef: {  	v1 =	vmul.f32 $6.931471820e-01, v1;
	v3 =	vsub.f32 v3, v4;
	v4 =	vadd.f32 v58, v5  }
0xf0: {  	v8 =	vadd.f32 v8, v8;
	v62 =	vmul.f32 v9, v60;
	v7 =	vadd.f32 $1.000000000e+00, v7  }
0xf1: {  	v3 =	vadd.f32 $0.0e+00, v3;
	v4 =	vmul.f32 $3.000000000e+00, v4  }
0xf2: {  	v6 =	vmul.f32 $6.931471820e-01, v6;
	v1 =	vadd.f32 v62, v1;
	v63 =	vmul.f32 v7, v8  }
0xf3: {  	v3 =	vadd.f32 v4, v3  }
0xf4: {  	v1 =	vsub.f32 v1, v2;
	v2 =	vadd.f32 v63, v6;
	_ =	sdelay $0x1  }
0xf5: {  	v1 =	vadd.f32 v3, v1;
	v2 =	vmul.f32 $3.000000000e+00, v2;
	_ =	sdelay $0x1  }
0xf6: {  	s26 =	sadd.s32 $0x1, s26;
	v1 =	vadd.f32 v1, v2  }
0xf7: {  	p0 =	sne.s32 s26, s11  }
.Ltmp2:
0xf8: {  	[tilespmem:$0x6C80] =	vst v1;
	(pc) =	sbr.rel @p0 .LBB2_1-.Ltmp2, $4  }
0xf9: {  	[hbm4b:s10+s5] =	stream.linear.scatter [tilespmem:s25], [sflag:$0x3], $0x80, $0x38;
	[tilespmem:$0x6D00] =	vst v63  }
0xfa: {  	_ =	swait.ge [sflag:s18], $0x80  }
0xfb: {  	[sflag:s18] =	ssyncset.done $0x0  }
0xfc: {  	[sflag:s18] =	ssyncadd.s32 $0xFFFFFF80  }
0xfd: {  	_ =	sfence.sel $0x180000  }
0xfe: {  	[bflag:$0x0] =	sbarrier.arrive $0xFFFF  }
0xff: {  	_ =	strace $0x90000047  }
0x100: {  	s0 =	stileid.u32;
	[bflag:$0x2] =	sbarrier.arrive $0xFFFF  }
0x101: {  	p0 =	sne.s32 s0, $0x0;
	s0 =	rddreg [dreg:$0x5]  }
0x102: {  	s0 =	sadd.s32 @!p0 $0x100000, s0  }
0x103: {  	[sflag:s0] =	ssyncadd.tile.s32 @!p0 $0x1;
	_ =	shalt  }
.Lfunc_end2:
_tile_overlayer_lowered:
.L_overlay_start_2:
0x104: {  	(tag) =	ssettag $0x2  }
0x105: {  	s0 =	rddreg [dreg:$0x0];
	s2 =	stileid.u32  }
0x106: {  	s1 =	rddreg [dreg:$0x1];
	p0 =	sne.s32 s2, $0x0  }
0x107: {  	s3 =	rddreg [dreg:$0x2];
	[bflag:$0x3] =	sbarrier.arrive $0xFFFF;
	s2 =	simm.s32 @!p0 $0x1C03  }
0x108: {  	[timem:s3], [sflag:s2] =	dma.local @!p0 [hbm:s0], s1  }
0x109: {  	s0 =	simm.s32 @!p0 $0x3  }
0x10a: {  	_ =	swait.ge @!p0 [sflag:s0], s1  }
0x10b: {  	s1 =	ssub.s32 @!p0 $0x0, s1;
	[sflag:s0] =	ssyncset.done @!p0 $0x0  }
0x10c: {  	[sflag:s0] =	ssyncadd.s32 @!p0 s1  }
0x10d: {  	[bflag:$0x3] =	sbarrier.arrive $0xFFFF  }
0x10e: {  	_ =	shalt  }

</sc_bundles>
